<compile_context>
chip_gen: v7x
topology: tpu7x:2x2x1
jax: 0.10.2.dev20260603
libtpu: 0.0.44.dev20260713+nightly
codegen_flags: <defaults>
</compile_context>

<pallas_src>
import jax
import jax.numpy as jnp
from jax import lax
from jax.experimental import pallas as pl
from jax.experimental.pallas import tpu as pltpu
from jax.experimental.pallas import tpu_sc as plsc

N_NODES = 10000
D = 128
NC, NS = 2, 16
NW = NC * NS
CHUNK = 128
NCK = 80
NBUF_DEG = 4
N_PAD = 10240
BR = 1000

_mesh = plsc.VectorSubcoreMesh(core_axis_name="c", subcore_axis_name="s")


def _fill(ref, n, value):
    v = jnp.full((16,), value, jnp.float32)

    def body(i, carry):
        ref[pl.ds(i * 16, 16)] = v
        return carry

    lax.fori_loop(0, n // 16, body, 0)


def _deg_body(dst_hbm, out_hbm, didx_v, ones_v, zck_v, deg_sh, *sems):
    c = lax.axis_index("c")
    s = lax.axis_index("s")
    w = s * NC + c
    rpt = N_PAD // NS
    _fill(ones_v, CHUNK, 1.0)
    _fill(zck_v, rpt, 0.0)
    pltpu.sync_copy(dst_hbm.at[w], didx_v)
    pltpu.sync_copy(zck_v, deg_sh.at[pl.ds(s * rpt, rpt)])
    plsc.subcore_barrier()

    def issue(g, k):
        pltpu.async_copy(ones_v, deg_sh.at[didx_v.at[g]], sems[k], add=True)

    def wait(g, k):
        pltpu.make_async_copy(ones_v, deg_sh.at[didx_v.at[g]],
                              sems[k]).wait()

    for k in range(NBUF_DEG):
        issue(k, k)

    def body(t, carry):
        g = NBUF_DEG + t * NBUF_DEG
        for k in range(NBUF_DEG):
            wait(g + k - NBUF_DEG, k)
            issue(g + k, k)
        return carry

    lax.fori_loop(0, NCK // NBUF_DEG - 1, body, 0)
    for k in range(NBUF_DEG):
        wait(NCK - NBUF_DEG + k, k)
    plsc.subcore_barrier()
    pltpu.sync_copy(deg_sh.at[pl.ds(s * rpt, rpt)],
                    out_hbm.at[c, pl.ds(s * rpt, rpt)])


def _msg_body(src_hbm, dst_hbm, hs_hbm, out_hbm,
              sidx_v, didx_v, rows_v, acc_sh, sem0, sem1, dsem0, dsem1):
    gsems = (sem0, sem1)
    dsems = (dsem0, dsem1)
    c = lax.axis_index("c")
    s = lax.axis_index("s")
    w = s * NC + c
    rpt = N_PAD // NS

    zero16 = jnp.zeros((16,), jnp.float32)

    def zbody(i, carry):
        rows_v[0, i >> 3, pl.ds((i & 7) * 16, 16)] = zero16
        return carry

    lax.fori_loop(0, CHUNK * (D // 16), zbody, 0)
    for j in range(rpt // CHUNK):
        pltpu.sync_copy(rows_v.at[0],
                        acc_sh.at[pl.ds(s * rpt + j * CHUNK, CHUNK)])
    pltpu.sync_copy(src_hbm.at[w], sidx_v)
    plsc.subcore_barrier()

    def stage(g, k):
        pltpu.async_copy(dst_hbm.at[w, g], didx_v.at[k], dsems[k])
        pltpu.async_copy(hs_hbm.at[sidx_v.at[g]], rows_v.at[k], gsems[k])

    def drain(g, k):
        pltpu.make_async_copy(hs_hbm.at[sidx_v.at[g]], rows_v.at[k],
                              gsems[k]).wait()
        pltpu.make_async_copy(dst_hbm.at[w, g], didx_v.at[k],
                              dsems[k]).wait()
        pltpu.sync_copy(rows_v.at[k], acc_sh.at[didx_v.at[k]], add=True)

    stage(0, 0)
    stage(1, 1)

    def body(t, carry):
        g = t * 2
        drain(g, 0)

        @pl.when(g + 2 < NCK)
        def _():
            stage(g + 2, 0)

        drain(g + 1, 1)

        @pl.when(g + 3 < NCK)
        def _():
            stage(g + 3, 1)

        return carry

    lax.fori_loop(0, NCK // 2, body, 0)
    plsc.subcore_barrier()
    pltpu.sync_copy(acc_sh.at[pl.ds(s * rpt, rpt)],
                    out_hbm.at[c, pl.ds(s * rpt, rpt)])


def _hs_body(x_ref, w_ref, dcnt_ref, hs_ref):
    h = jnp.dot(x_ref[...], w_ref[...], preferred_element_type=jnp.float32)
    cnt = jnp.sum(dcnt_ref[...], axis=(0, 2))
    dinv = lax.rsqrt(cnt + 1.0)
    hs_ref[...] = h * dinv[:, None]


def _fin_body(p0_ref, p1_ref, hs_ref, dcnt_ref, b_ref, o_ref):
    acc = p0_ref[0] + p1_ref[0] + hs_ref[...]
    cnt = jnp.sum(dcnt_ref[...], axis=(0, 2))
    dinv = lax.rsqrt(cnt + 1.0)
    o = acc * dinv[:, None] + b_ref[...]
    m = jnp.max(o, axis=1, keepdims=True)
    ex = jnp.exp(o - m)
    lse = jnp.log(jnp.sum(ex, axis=1, keepdims=True))
    o_ref[...] = o - m - lse


def kernel(x, edge_index, W, b):
    E = edge_index.shape[1]
    e_pad = NW * CHUNK * NCK
    pad_e = e_pad - E
    pad_dst = N_NODES + jnp.arange(pad_e, dtype=jnp.int32) % (N_PAD - N_NODES)
    pad_src = jnp.arange(pad_e, dtype=jnp.int32) % N_NODES
    src = jnp.concatenate([edge_index[0].astype(jnp.int32), pad_src])
    dst = jnp.concatenate([edge_index[1].astype(jnp.int32), pad_dst])
    src3 = src.reshape(NW, NCK, CHUNK)
    dst3 = dst.reshape(NW, NCK, CHUNK)

    deg_kern = pl.kernel(
        _deg_body,
        out_type=jax.ShapeDtypeStruct((NC, N_PAD), jnp.float32),
        mesh=_mesh,
        scratch_types=[
            pltpu.VMEM((NCK, CHUNK), jnp.int32),
            pltpu.VMEM((CHUNK,), jnp.float32),
            pltpu.VMEM((N_PAD // NS,), jnp.float32),
            pltpu.VMEM_SHARED((N_PAD,), jnp.float32),
        ] + [pltpu.SemaphoreType.DMA] * NBUF_DEG,
    )
    dcnt = deg_kern(dst3).reshape(NC, N_PAD, 1)

    hs = pl.pallas_call(
        _hs_body,
        grid=(N_NODES // BR,),
        in_specs=[
            pl.BlockSpec((BR, D), lambda i: (i, 0)),
            pl.BlockSpec((D, D), lambda i: (0, 0)),
            pl.BlockSpec((NC, BR, 1), lambda i: (0, i, 0)),
        ],
        out_specs=pl.BlockSpec((BR, D), lambda i: (i, 0)),
        out_shape=jax.ShapeDtypeStruct((N_NODES, D), jnp.float32),
    )(x, W, dcnt)

    msg_kern = pl.kernel(
        _msg_body,
        out_type=jax.ShapeDtypeStruct((NC, N_PAD, D), jnp.float32),
        mesh=_mesh,
        scratch_types=[
            pltpu.VMEM((NCK, CHUNK), jnp.int32),
            pltpu.VMEM((2, CHUNK), jnp.int32),
            pltpu.VMEM((2, CHUNK, D), jnp.float32),
            pltpu.VMEM_SHARED((N_PAD, D), jnp.float32),
            pltpu.SemaphoreType.DMA,
            pltpu.SemaphoreType.DMA,
            pltpu.SemaphoreType.DMA,
            pltpu.SemaphoreType.DMA,
        ],
    )
    parts = msg_kern(src3, dst3, hs)

    b2 = b.reshape(1, D)
    out = pl.pallas_call(
        _fin_body,
        grid=(N_NODES // BR,),
        in_specs=[
            pl.BlockSpec((1, BR, D), lambda i: (0, i, 0)),
            pl.BlockSpec((1, BR, D), lambda i: (1, i, 0)),
            pl.BlockSpec((BR, D), lambda i: (i, 0)),
            pl.BlockSpec((NC, BR, 1), lambda i: (0, i, 0)),
            pl.BlockSpec((1, D), lambda i: (0, 0)),
        ],
        out_specs=pl.BlockSpec((BR, D), lambda i: (i, 0)),
        out_shape=jax.ShapeDtypeStruct((N_NODES, D), jnp.float32),
    )(parts, parts, hs, dcnt, b2)

    return out

# --- scband reference (transcript-rebuilt; emitter-appended) ---
"""Pipeline reference for scband-cls-62062277427823 (READ-ONLY COPY).

The authoritative reference and input builder live on the scoring server;
editing this copy changes nothing except your own understanding.
"""

import jax, jax.numpy as jnp
import numpy as np

N_NODES = 10000
D_IN = 128
D_OUT = 128
N_EDGES = 320000


def setup_inputs(seed: int = 0) -> dict:
    key = jax.random.key(seed)
    k1, k2, k3 = jax.random.split(key, 3)
    x = jax.random.normal(k1, (N_NODES, D_IN), dtype=jnp.float32)
    edge_index = jax.random.randint(k2, (2, N_EDGES), 0, N_NODES, dtype=jnp.int64)
    # GCNConv linear weight, glorot-uniform init (PyG convention: out = x @ W, W: [d_in, d_out])
    limit = float(np.sqrt(6.0 / (D_IN + D_OUT)))
    W = jax.random.uniform(k3, (D_IN, D_OUT), minval=-limit, maxval=limit, dtype=jnp.float32)
    b = jnp.zeros((D_OUT,), dtype=jnp.float32)
    return {"x": x, "edge_index": edge_index, "W": W, "b": b}


def reference(x, edge_index, W, b):
    N = x.shape[0]
    # --- GCNConv with add_self_loops=True, normalize=True (PyG defaults) ---
    loop = jnp.arange(N, dtype=edge_index.dtype)
    src = jnp.concatenate([edge_index[0], loop])
    dst = jnp.concatenate([edge_index[1], loop])
    # degree computed on destination (col) with unit edge weights
    deg = jnp.zeros((N,), dtype=x.dtype).at[dst].add(1.0)
    deg_inv_sqrt = deg ** -0.5
    deg_inv_sqrt = jnp.where(jnp.isinf(deg_inv_sqrt), 0.0, deg_inv_sqrt)
    norm = deg_inv_sqrt[src] * deg_inv_sqrt[dst]
    # linear transform then message passing: gather from src, scatter-add to dst
    h = x @ W
    msgs = h[src] * norm[:, None]
    out = jnp.zeros((N, h.shape[1]), dtype=h.dtype).at[dst].add(msgs)
    out = out + b
    # --- CLS head: log_softmax over feature dim ---
    return jax.nn.log_softmax(out, axis=1)

if __name__ == "__main__":
    import jax
    _d = setup_inputs()
    print(jax.jit(kernel)(*tuple(_d.values())))

</pallas_src>

<mosaic_0001>
#map = affine_map<(d0, d1) -> (0, 0, 0)>
#map1 = affine_map<(d0, d1) -> (0, 0)>
module attributes {stable_mosaic.version = 14 : i64} {
  func.func @_deg_body(%arg0: i32, %arg1: i32, %arg2: memref<32x80x128xi32, #tpu.memory_space<hbm>>, %arg3: memref<2x10240xf32, #tpu.memory_space<hbm>>, %arg4: memref<80x128xi32, #tpu.memory_space<vmem>>, %arg5: memref<128xf32, #tpu.memory_space<vmem>>, %arg6: memref<640xf32, #tpu.memory_space<vmem>>, %arg7: memref<10240xf32, #tpu.memory_space<vmem_shared>>, %arg8: memref<!tpu.dma_semaphore, #tpu.memory_space<semaphore_mem>>, %arg9: memref<!tpu.dma_semaphore, #tpu.memory_space<semaphore_mem>>, %arg10: memref<!tpu.dma_semaphore, #tpu.memory_space<semaphore_mem>>, %arg11: memref<!tpu.dma_semaphore, #tpu.memory_space<semaphore_mem>>) attributes {dimension_semantics = [#tpu.dimension_semantics<core_parallel>, #tpu.dimension_semantics<subcore_parallel>], iteration_bounds = array<i64: 2, 16>, scalar_prefetch = 0 : i64, scratch_operands = 8 : i64, tpu.core_type = #tpu.core_type<sc_vector_subcore>, window_params = [{transform_indices = #map}, {transform_indices = #map1}]} {
    %mul3A = arith.constant 2 : i32
    %mul3A_0 = arith.muli %arg1, %mul3A : i32
    %add3A = arith.addi %mul3A_0, %arg0 : i32
    %broadcast_in_dim3A = arith.constant 1.000000e+00 : f32
    %broadcast_in_dim3A_1 = vector.broadcast %broadcast_in_dim3A : f32 to vector<16xf32>
    %scan3A = arith.constant 0 : i32
    %scan3A_2 = arith.constant 0 : i32
    %scan3A_3 = arith.constant 8 : i32
    %scan3A_4 = arith.addi %scan3A_2, %scan3A_3 : i32
    %scan3A_5 = arith.constant 1 : i32
    scf.for %scan3A_74 = %scan3A_2 to %scan3A_4 step %scan3A_5  : i32 {
      %mul3A_75 = arith.constant 16 : i32
      %mul3A_76 = arith.muli %scan3A_74, %mul3A_75 : i32
      %swap3A = arith.index_cast %mul3A_76 : i32 to index
      %swap3A_77 = tpu.vector_load %arg5[%swap3A] {strides = array<i32>} : memref<128xf32, #tpu.memory_space<vmem>>, vector<16xf32>,
      %swap3A_78 = vector.shape_cast %swap3A_77 : vector<16xf32> to vector<16xf32>
      %swap3A_79 = vector.shape_cast %broadcast_in_dim3A_1 : vector<16xf32> to vector<16xf32>
      tpu.vector_store %arg5[%swap3A], %swap3A_79 {strides = array<i32>} : memref<128xf32, #tpu.memory_space<vmem>>, vector<16xf32>,
    }
    %scan3A_6 = arith.constant 8 : i32
    %broadcast_in_dim3A_7 = arith.constant 0.000000e+00 : f32
    %broadcast_in_dim3A_8 = vector.broadcast %broadcast_in_dim3A_7 : f32 to vector<16xf32>
    %scan3A_9 = arith.constant 0 : i32
    %scan3A_10 = arith.constant 0 : i32
    %scan3A_11 = arith.constant 40 : i32
    %scan3A_12 = arith.addi %scan3A_10, %scan3A_11 : i32
    %scan3A_13 = arith.constant 1 : i32
    scf.for %scan3A_74 = %scan3A_10 to %scan3A_12 step %scan3A_13  : i32 {
      %mul3A_75 = arith.constant 16 : i32
      %mul3A_76 = arith.muli %scan3A_74, %mul3A_75 : i32
      %swap3A = arith.index_cast %mul3A_76 : i32 to index
      %swap3A_77 = tpu.vector_load %arg6[%swap3A] {strides = array<i32>} : memref<640xf32, #tpu.memory_space<vmem>>, vector<16xf32>,
      %swap3A_78 = vector.shape_cast %swap3A_77 : vector<16xf32> to vector<16xf32>
      %swap3A_79 = vector.shape_cast %broadcast_in_dim3A_8 : vector<16xf32> to vector<16xf32>
      tpu.vector_store %arg6[%swap3A], %swap3A_79 {strides = array<i32>} : memref<640xf32, #tpu.memory_space<vmem>>, vector<16xf32>,
    }
    %scan3A_14 = arith.constant 40 : i32
    "tpu.region"() ({
      %run_scoped3A = tpu.sem_alloc : memref<!tpu.dma_semaphore, #tpu.memory_space<semaphore_mem>>
      %dma_start3A_74 = arith.constant 0 : i32
      %dma_start3A_75 = arith.constant 0 : i32
      %dma_start3A_76 = tpu.memref_slice %arg2[%add3A, %dma_start3A_74, %dma_start3A_75] : memref<32x80x128xi32, #tpu.memory_space<hbm>> -> memref<1x80x128xi32, #tpu.memory_space<hbm>>
      %dma_start3A_77 = tpu.memref_squeeze %dma_start3A_76 : memref<1x80x128xi32, #tpu.memory_space<hbm>> -> memref<80x128xi32, #tpu.memory_space<hbm>>
      %dma_start3A_78 = arith.constant 0 : i32
      %dma_start3A_79 = arith.constant 0 : i32
      %dma_start3A_80 = tpu.memref_slice %arg2[%add3A, %dma_start3A_78, %dma_start3A_79] : memref<32x80x128xi32, #tpu.memory_space<hbm>> -> memref<1x80x128xi32, #tpu.memory_space<hbm>>
      %dma_start3A_81 = tpu.memref_squeeze %dma_start3A_80 : memref<1x80x128xi32, #tpu.memory_space<hbm>> -> memref<80x128xi32, #tpu.memory_space<hbm>>
      tpu.enqueue_dma source(%dma_start3A_81 : memref<80x128xi32, #tpu.memory_space<hbm>>) target(%arg4 : memref<80x128xi32, #tpu.memory_space<vmem>>) target_semaphore(%run_scoped3A : memref<!tpu.dma_semaphore, #tpu.memory_space<semaphore_mem>>)
      %dma_wait3A_82 = arith.constant 0 : i32
      %dma_wait3A_83 = arith.constant 0 : i32
      %dma_wait3A_84 = tpu.memref_slice %arg2[%add3A, %dma_wait3A_82, %dma_wait3A_83] : memref<32x80x128xi32, #tpu.memory_space<hbm>> -> memref<1x80x128xi32, #tpu.memory_space<hbm>>
      %dma_wait3A_85 = tpu.memref_squeeze %dma_wait3A_84 : memref<1x80x128xi32, #tpu.memory_space<hbm>> -> memref<80x128xi32, #tpu.memory_space<hbm>>
      %dma_wait3A_86 = arith.constant 0 : i32
      %dma_wait3A_87 = arith.constant 0 : i32
      %dma_wait3A_88 = tpu.memref_slice %arg2[%add3A, %dma_wait3A_86, %dma_wait3A_87] : memref<32x80x128xi32, #tpu.memory_space<hbm>> -> memref<1x80x128xi32, #tpu.memory_space<hbm>>
      %dma_wait3A_89 = tpu.memref_squeeze %dma_wait3A_88 : memref<1x80x128xi32, #tpu.memory_space<hbm>> -> memref<80x128xi32, #tpu.memory_space<hbm>>
      tpu.wait_dma2 semaphore(%run_scoped3A : memref<!tpu.dma_semaphore, #tpu.memory_space<semaphore_mem>>) src(%dma_wait3A_89 : memref<80x128xi32, #tpu.memory_space<hbm>>) dst(%arg4 : memref<80x128xi32, #tpu.memory_space<vmem>>)
      tpu.yield
    }) : () -> ()
    %mul3A_15 = arith.constant 640 : i32
    %mul3A_16 = arith.muli %arg1, %mul3A_15 : i32
    "tpu.region"() ({
      %run_scoped3A = tpu.sem_alloc : memref<!tpu.dma_semaphore, #tpu.memory_space<semaphore_mem>>
      %dma_start3A_74 = tpu.memref_slice %arg7[%mul3A_16] : memref<10240xf32, #tpu.memory_space<vmem_shared>> -> memref<640xf32, #tpu.memory_space<vmem_shared>>
      %dma_start3A_75 = tpu.memref_slice %arg7[%mul3A_16] : memref<10240xf32, #tpu.memory_space<vmem_shared>> -> memref<640xf32, #tpu.memory_space<vmem_shared>>
      tpu.enqueue_dma source(%arg6 : memref<640xf32, #tpu.memory_space<vmem>>) target(%dma_start3A_75 : memref<640xf32, #tpu.memory_space<vmem_shared>>) target_semaphore(%run_scoped3A : memref<!tpu.dma_semaphore, #tpu.memory_space<semaphore_mem>>)
      %dma_wait3A_76 = tpu.memref_slice %arg7[%mul3A_16] : memref<10240xf32, #tpu.memory_space<vmem_shared>> -> memref<640xf32, #tpu.memory_space<vmem_shared>>
      %dma_wait3A_77 = tpu.memref_slice %arg7[%mul3A_16] : memref<10240xf32, #tpu.memory_space<vmem_shared>> -> memref<640xf32, #tpu.memory_space<vmem_shared>>
      tpu.wait_dma2 semaphore(%run_scoped3A : memref<!tpu.dma_semaphore, #tpu.memory_space<semaphore_mem>>) src(%arg6 : memref<640xf32, #tpu.memory_space<vmem>>) dst(%dma_wait3A_77 : memref<640xf32, #tpu.memory_space<vmem_shared>>)
      tpu.yield
    }) : () -> ()
    %barrier3A = arith.constant 0 : index
    tpu.barrier barrier_id(%barrier3A)
    %dma_start3A = arith.constant 0 : i32
    %dma_start3A_17 = arith.constant 0 : i32
    %dma_start3A_18 = tpu.memref_slice %arg4[%dma_start3A, %dma_start3A_17] : memref<80x128xi32, #tpu.memory_space<vmem>> -> memref<1x128xi32, #tpu.memory_space<vmem>>
    %dma_start3A_19 = tpu.memref_squeeze %dma_start3A_18 : memref<1x128xi32, #tpu.memory_space<vmem>> -> memref<128xi32, #tpu.memory_space<vmem>>
    %dma_start3A_20 = arith.constant 0 : i32
    %dma_start3A_21 = tpu.memref_slice %arg7[%dma_start3A_20] : memref<10240xf32, #tpu.memory_space<vmem_shared>> -> memref<10240xf32, #tpu.memory_space<vmem_shared>>
    tpu.enqueue_indirect_dma source(%arg5 : memref<128xf32, #tpu.memory_space<vmem>>) target(%dma_start3A_21 : memref<10240xf32, #tpu.memory_space<vmem_shared>>) offsets(%dma_start3A_19 : memref<128xi32, #tpu.memory_space<vmem>>) semaphore(%arg8 : memref<!tpu.dma_semaphore, #tpu.memory_space<semaphore_mem>>) {add = true}
    %dma_start3A_22 = arith.constant 1 : i32
    %dma_start3A_23 = arith.constant 0 : i32
    %dma_start3A_24 = tpu.memref_slice %arg4[%dma_start3A_22, %dma_start3A_23] : memref<80x128xi32, #tpu.memory_space<vmem>> -> memref<1x128xi32, #tpu.memory_space<vmem>>
    %dma_start3A_25 = tpu.memref_squeeze %dma_start3A_24 : memref<1x128xi32, #tpu.memory_space<vmem>> -> memref<128xi32, #tpu.memory_space<vmem>>
    %dma_start3A_26 = arith.constant 0 : i32
    %dma_start3A_27 = tpu.memref_slice %arg7[%dma_start3A_26] : memref<10240xf32, #tpu.memory_space<vmem_shared>> -> memref<10240xf32, #tpu.memory_space<vmem_shared>>
    tpu.enqueue_indirect_dma source(%arg5 : memref<128xf32, #tpu.memory_space<vmem>>) target(%dma_start3A_27 : memref<10240xf32, #tpu.memory_space<vmem_shared>>) offsets(%dma_start3A_25 : memref<128xi32, #tpu.memory_space<vmem>>) semaphore(%arg9 : memref<!tpu.dma_semaphore, #tpu.memory_space<semaphore_mem>>) {add = true}
    %dma_start3A_28 = arith.constant 2 : i32
    %dma_start3A_29 = arith.constant 0 : i32
    %dma_start3A_30 = tpu.memref_slice %arg4[%dma_start3A_28, %dma_start3A_29] : memref<80x128xi32, #tpu.memory_space<vmem>> -> memref<1x128xi32, #tpu.memory_space<vmem>>
    %dma_start3A_31 = tpu.memref_squeeze %dma_start3A_30 : memref<1x128xi32, #tpu.memory_space<vmem>> -> memref<128xi32, #tpu.memory_space<vmem>>
    %dma_start3A_32 = arith.constant 0 : i32
    %dma_start3A_33 = tpu.memref_slice %arg7[%dma_start3A_32] : memref<10240xf32, #tpu.memory_space<vmem_shared>> -> memref<10240xf32, #tpu.memory_space<vmem_shared>>
    tpu.enqueue_indirect_dma source(%arg5 : memref<128xf32, #tpu.memory_space<vmem>>) target(%dma_start3A_33 : memref<10240xf32, #tpu.memory_space<vmem_shared>>) offsets(%dma_start3A_31 : memref<128xi32, #tpu.memory_space<vmem>>) semaphore(%arg10 : memref<!tpu.dma_semaphore, #tpu.memory_space<semaphore_mem>>) {add = true}
    %dma_start3A_34 = arith.constant 3 : i32
    %dma_start3A_35 = arith.constant 0 : i32
    %dma_start3A_36 = tpu.memref_slice %arg4[%dma_start3A_34, %dma_start3A_35] : memref<80x128xi32, #tpu.memory_space<vmem>> -> memref<1x128xi32, #tpu.memory_space<vmem>>
    %dma_start3A_37 = tpu.memref_squeeze %dma_start3A_36 : memref<1x128xi32, #tpu.memory_space<vmem>> -> memref<128xi32, #tpu.memory_space<vmem>>
    %dma_start3A_38 = arith.constant 0 : i32
    %dma_start3A_39 = tpu.memref_slice %arg7[%dma_start3A_38] : memref<10240xf32, #tpu.memory_space<vmem_shared>> -> memref<10240xf32, #tpu.memory_space<vmem_shared>>
    tpu.enqueue_indirect_dma source(%arg5 : memref<128xf32, #tpu.memory_space<vmem>>) target(%dma_start3A_39 : memref<10240xf32, #tpu.memory_space<vmem_shared>>) offsets(%dma_start3A_37 : memref<128xi32, #tpu.memory_space<vmem>>) semaphore(%arg11 : memref<!tpu.dma_semaphore, #tpu.memory_space<semaphore_mem>>) {add = true}
    %scan3A_40 = arith.constant 0 : i32
    %scan3A_41 = arith.constant 0 : i32
    %scan3A_42 = arith.constant 19 : i32
    %scan3A_43 = arith.addi %scan3A_41, %scan3A_42 : i32
    %scan3A_44 = arith.constant 1 : i32
    scf.for %scan3A_74 = %scan3A_41 to %scan3A_43 step %scan3A_44  : i32 {
      %mul3A_75 = arith.constant 4 : i32
      %mul3A_76 = arith.muli %scan3A_74, %mul3A_75 : i32
      %add3A_77 = arith.constant 4 : i32
      %add3A_78 = arith.addi %add3A_77, %mul3A_76 : i32
      %add3A_79 = arith.constant 0 : i32
      %add3A_80 = arith.addi %add3A_78, %add3A_79 : i32
      %sub3A = arith.constant 4 : i32
      %sub3A_81 = arith.subi %add3A_80, %sub3A : i32
      %dma_wait3A_82 = arith.constant 0 : i32
      %dma_wait3A_83 = tpu.memref_slice %arg4[%sub3A_81, %dma_wait3A_82] : memref<80x128xi32, #tpu.memory_space<vmem>> -> memref<1x128xi32, #tpu.memory_space<vmem>>
      %dma_wait3A_84 = tpu.memref_squeeze %dma_wait3A_83 : memref<1x128xi32, #tpu.memory_space<vmem>> -> memref<128xi32, #tpu.memory_space<vmem>>
      %dma_wait3A_85 = arith.constant 0 : i32
      %dma_wait3A_86 = tpu.memref_slice %arg7[%dma_wait3A_85] : memref<10240xf32, #tpu.memory_space<vmem_shared>> -> memref<10240xf32, #tpu.memory_space<vmem_shared>>
      tpu.wait_indirect_dma semaphore(%arg8 : memref<!tpu.dma_semaphore, #tpu.memory_space<semaphore_mem>>) src(%arg5 : memref<128xf32, #tpu.memory_space<vmem>>) dst(%dma_wait3A_86 : memref<10240xf32, #tpu.memory_space<vmem_shared>>)
      %add3A_87 = arith.constant 0 : i32
      %add3A_88 = arith.addi %add3A_78, %add3A_87 : i32
      %dma_start3A_89 = arith.constant 0 : i32
      %dma_start3A_90 = tpu.memref_slice %arg4[%add3A_88, %dma_start3A_89] : memref<80x128xi32, #tpu.memory_space<vmem>> -> memref<1x128xi32, #tpu.memory_space<vmem>>
      %dma_start3A_91 = tpu.memref_squeeze %dma_start3A_90 : memref<1x128xi32, #tpu.memory_space<vmem>> -> memref<128xi32, #tpu.memory_space<vmem>>
      %dma_start3A_92 = arith.constant 0 : i32
      %dma_start3A_93 = tpu.memref_slice %arg7[%dma_start3A_92] : memref<10240xf32, #tpu.memory_space<vmem_shared>> -> memref<10240xf32, #tpu.memory_space<vmem_shared>>
      tpu.enqueue_indirect_dma source(%arg5 : memref<128xf32, #tpu.memory_space<vmem>>) target(%dma_start3A_93 : memref<10240xf32, #tpu.memory_space<vmem_shared>>) offsets(%dma_start3A_91 : memref<128xi32, #tpu.memory_space<vmem>>) semaphore(%arg8 : memref<!tpu.dma_semaphore, #tpu.memory_space<semaphore_mem>>) {add = true}
      %add3A_94 = arith.constant 1 : i32
      %add3A_95 = arith.addi %add3A_78, %add3A_94 : i32
      %sub3A_96 = arith.constant 4 : i32
      %sub3A_97 = arith.subi %add3A_95, %sub3A_96 : i32
      %dma_wait3A_98 = arith.constant 0 : i32
      %dma_wait3A_99 = tpu.memref_slice %arg4[%sub3A_97, %dma_wait3A_98] : memref<80x128xi32, #tpu.memory_space<vmem>> -> memref<1x128xi32, #tpu.memory_space<vmem>>
      %dma_wait3A_100 = tpu.memref_squeeze %dma_wait3A_99 : memref<1x128xi32, #tpu.memory_space<vmem>> -> memref<128xi32, #tpu.memory_space<vmem>>
      %dma_wait3A_101 = arith.constant 0 : i32
      %dma_wait3A_102 = tpu.memref_slice %arg7[%dma_wait3A_101] : memref<10240xf32, #tpu.memory_space<vmem_shared>> -> memref<10240xf32, #tpu.memory_space<vmem_shared>>
      tpu.wait_indirect_dma semaphore(%arg9 : memref<!tpu.dma_semaphore, #tpu.memory_space<semaphore_mem>>) src(%arg5 : memref<128xf32, #tpu.memory_space<vmem>>) dst(%dma_wait3A_102 : memref<10240xf32, #tpu.memory_space<vmem_shared>>)
      %add3A_103 = arith.constant 1 : i32
      %add3A_104 = arith.addi %add3A_78, %add3A_103 : i32
      %dma_start3A_105 = arith.constant 0 : i32
      %dma_start3A_106 = tpu.memref_slice %arg4[%add3A_104, %dma_start3A_105] : memref<80x128xi32, #tpu.memory_space<vmem>> -> memref<1x128xi32, #tpu.memory_space<vmem>>
      %dma_start3A_107 = tpu.memref_squeeze %dma_start3A_106 : memref<1x128xi32, #tpu.memory_space<vmem>> -> memref<128xi32, #tpu.memory_space<vmem>>
      %dma_start3A_108 = arith.constant 0 : i32
      %dma_start3A_109 = tpu.memref_slice %arg7[%dma_start3A_108] : memref<10240xf32, #tpu.memory_space<vmem_shared>> -> memref<10240xf32, #tpu.memory_space<vmem_shared>>
      tpu.enqueue_indirect_dma source(%arg5 : memref<128xf32, #tpu.memory_space<vmem>>) target(%dma_start3A_109 : memref<10240xf32, #tpu.memory_space<vmem_shared>>) offsets(%dma_start3A_107 : memref<128xi32, #tpu.memory_space<vmem>>) semaphore(%arg9 : memref<!tpu.dma_semaphore, #tpu.memory_space<semaphore_mem>>) {add = true}
      %add3A_110 = arith.constant 2 : i32
      %add3A_111 = arith.addi %add3A_78, %add3A_110 : i32
      %sub3A_112 = arith.constant 4 : i32
      %sub3A_113 = arith.subi %add3A_111, %sub3A_112 : i32
      %dma_wait3A_114 = arith.constant 0 : i32
      %dma_wait3A_115 = tpu.memref_slice %arg4[%sub3A_113, %dma_wait3A_114] : memref<80x128xi32, #tpu.memory_space<vmem>> -> memref<1x128xi32, #tpu.memory_space<vmem>>
      %dma_wait3A_116 = tpu.memref_squeeze %dma_wait3A_115 : memref<1x128xi32, #tpu.memory_space<vmem>> -> memref<128xi32, #tpu.memory_space<vmem>>
      %dma_wait3A_117 = arith.constant 0 : i32
      %dma_wait3A_118 = tpu.memref_slice %arg7[%dma_wait3A_117] : memref<10240xf32, #tpu.memory_space<vmem_shared>> -> memref<10240xf32, #tpu.memory_space<vmem_shared>>
      tpu.wait_indirect_dma semaphore(%arg10 : memref<!tpu.dma_semaphore, #tpu.memory_space<semaphore_mem>>) src(%arg5 : memref<128xf32, #tpu.memory_space<vmem>>) dst(%dma_wait3A_118 : memref<10240xf32, #tpu.memory_space<vmem_shared>>)
      %add3A_119 = arith.constant 2 : i32
      %add3A_120 = arith.addi %add3A_78, %add3A_119 : i32
      %dma_start3A_121 = arith.constant 0 : i32
      %dma_start3A_122 = tpu.memref_slice %arg4[%add3A_120, %dma_start3A_121] : memref<80x128xi32, #tpu.memory_space<vmem>> -> memref<1x128xi32, #tpu.memory_space<vmem>>
      %dma_start3A_123 = tpu.memref_squeeze %dma_start3A_122 : memref<1x128xi32, #tpu.memory_space<vmem>> -> memref<128xi32, #tpu.memory_space<vmem>>
      %dma_start3A_124 = arith.constant 0 : i32
      %dma_start3A_125 = tpu.memref_slice %arg7[%dma_start3A_124] : memref<10240xf32, #tpu.memory_space<vmem_shared>> -> memref<10240xf32, #tpu.memory_space<vmem_shared>>
      tpu.enqueue_indirect_dma source(%arg5 : memref<128xf32, #tpu.memory_space<vmem>>) target(%dma_start3A_125 : memref<10240xf32, #tpu.memory_space<vmem_shared>>) offsets(%dma_start3A_123 : memref<128xi32, #tpu.memory_space<vmem>>) semaphore(%arg10 : memref<!tpu.dma_semaphore, #tpu.memory_space<semaphore_mem>>) {add = true}
      %add3A_126 = arith.constant 3 : i32
      %add3A_127 = arith.addi %add3A_78, %add3A_126 : i32
      %sub3A_128 = arith.constant 4 : i32
      %sub3A_129 = arith.subi %add3A_127, %sub3A_128 : i32
      %dma_wait3A_130 = arith.constant 0 : i32
      %dma_wait3A_131 = tpu.memref_slice %arg4[%sub3A_129, %dma_wait3A_130] : memref<80x128xi32, #tpu.memory_space<vmem>> -> memref<1x128xi32, #tpu.memory_space<vmem>>
      %dma_wait3A_132 = tpu.memref_squeeze %dma_wait3A_131 : memref<1x128xi32, #tpu.memory_space<vmem>> -> memref<128xi32, #tpu.memory_space<vmem>>
      %dma_wait3A_133 = arith.constant 0 : i32
      %dma_wait3A_134 = tpu.memref_slice %arg7[%dma_wait3A_133] : memref<10240xf32, #tpu.memory_space<vmem_shared>> -> memref<10240xf32, #tpu.memory_space<vmem_shared>>
      tpu.wait_indirect_dma semaphore(%arg11 : memref<!tpu.dma_semaphore, #tpu.memory_space<semaphore_mem>>) src(%arg5 : memref<128xf32, #tpu.memory_space<vmem>>) dst(%dma_wait3A_134 : memref<10240xf32, #tpu.memory_space<vmem_shared>>)
      %add3A_135 = arith.constant 3 : i32
      %add3A_136 = arith.addi %add3A_78, %add3A_135 : i32
      %dma_start3A_137 = arith.constant 0 : i32
      %dma_start3A_138 = tpu.memref_slice %arg4[%add3A_136, %dma_start3A_137] : memref<80x128xi32, #tpu.memory_space<vmem>> -> memref<1x128xi32, #tpu.memory_space<vmem>>
      %dma_start3A_139 = tpu.memref_squeeze %dma_start3A_138 : memref<1x128xi32, #tpu.memory_space<vmem>> -> memref<128xi32, #tpu.memory_space<vmem>>
      %dma_start3A_140 = arith.constant 0 : i32
      %dma_start3A_141 = tpu.memref_slice %arg7[%dma_start3A_140] : memref<10240xf32, #tpu.memory_space<vmem_shared>> -> memref<10240xf32, #tpu.memory_space<vmem_shared>>
      tpu.enqueue_indirect_dma source(%arg5 : memref<128xf32, #tpu.memory_space<vmem>>) target(%dma_start3A_141 : memref<10240xf32, #tpu.memory_space<vmem_shared>>) offsets(%dma_start3A_139 : memref<128xi32, #tpu.memory_space<vmem>>) semaphore(%arg11 : memref<!tpu.dma_semaphore, #tpu.memory_space<semaphore_mem>>) {add = true}
    }
    %scan3A_45 = arith.constant 19 : i32
    %dma_wait3A = arith.constant 76 : i32
    %dma_wait3A_46 = arith.constant 0 : i32
    %dma_wait3A_47 = tpu.memref_slice %arg4[%dma_wait3A, %dma_wait3A_46] : memref<80x128xi32, #tpu.memory_space<vmem>> -> memref<1x128xi32, #tpu.memory_space<vmem>>
    %dma_wait3A_48 = tpu.memref_squeeze %dma_wait3A_47 : memref<1x128xi32, #tpu.memory_space<vmem>> -> memref<128xi32, #tpu.memory_space<vmem>>
    %dma_wait3A_49 = arith.constant 0 : i32
    %dma_wait3A_50 = tpu.memref_slice %arg7[%dma_wait3A_49] : memref<10240xf32, #tpu.memory_space<vmem_shared>> -> memref<10240xf32, #tpu.memory_space<vmem_shared>>
    tpu.wait_indirect_dma semaphore(%arg8 : memref<!tpu.dma_semaphore, #tpu.memory_space<semaphore_mem>>) src(%arg5 : memref<128xf32, #tpu.memory_space<vmem>>) dst(%dma_wait3A_50 : memref<10240xf32, #tpu.memory_space<vmem_shared>>)
    %dma_wait3A_51 = arith.constant 77 : i32
    %dma_wait3A_52 = arith.constant 0 : i32
    %dma_wait3A_53 = tpu.memref_slice %arg4[%dma_wait3A_51, %dma_wait3A_52] : memref<80x128xi32, #tpu.memory_space<vmem>> -> memref<1x128xi32, #tpu.memory_space<vmem>>
    %dma_wait3A_54 = tpu.memref_squeeze %dma_wait3A_53 : memref<1x128xi32, #tpu.memory_space<vmem>> -> memref<128xi32, #tpu.memory_space<vmem>>
    %dma_wait3A_55 = arith.constant 0 : i32
    %dma_wait3A_56 = tpu.memref_slice %arg7[%dma_wait3A_55] : memref<10240xf32, #tpu.memory_space<vmem_shared>> -> memref<10240xf32, #tpu.memory_space<vmem_shared>>
    tpu.wait_indirect_dma semaphore(%arg9 : memref<!tpu.dma_semaphore, #tpu.memory_space<semaphore_mem>>) src(%arg5 : memref<128xf32, #tpu.memory_space<vmem>>) dst(%dma_wait3A_56 : memref<10240xf32, #tpu.memory_space<vmem_shared>>)
    %dma_wait3A_57 = arith.constant 78 : i32
    %dma_wait3A_58 = arith.constant 0 : i32
    %dma_wait3A_59 = tpu.memref_slice %arg4[%dma_wait3A_57, %dma_wait3A_58] : memref<80x128xi32, #tpu.memory_space<vmem>> -> memref<1x128xi32, #tpu.memory_space<vmem>>
    %dma_wait3A_60 = tpu.memref_squeeze %dma_wait3A_59 : memref<1x128xi32, #tpu.memory_space<vmem>> -> memref<128xi32, #tpu.memory_space<vmem>>
    %dma_wait3A_61 = arith.constant 0 : i32
    %dma_wait3A_62 = tpu.memref_slice %arg7[%dma_wait3A_61] : memref<10240xf32, #tpu.memory_space<vmem_shared>> -> memref<10240xf32, #tpu.memory_space<vmem_shared>>
    tpu.wait_indirect_dma semaphore(%arg10 : memref<!tpu.dma_semaphore, #tpu.memory_space<semaphore_mem>>) src(%arg5 : memref<128xf32, #tpu.memory_space<vmem>>) dst(%dma_wait3A_62 : memref<10240xf32, #tpu.memory_space<vmem_shared>>)
    %dma_wait3A_63 = arith.constant 79 : i32
    %dma_wait3A_64 = arith.constant 0 : i32
    %dma_wait3A_65 = tpu.memref_slice %arg4[%dma_wait3A_63, %dma_wait3A_64] : memref<80x128xi32, #tpu.memory_space<vmem>> -> memref<1x128xi32, #tpu.memory_space<vmem>>
    %dma_wait3A_66 = tpu.memref_squeeze %dma_wait3A_65 : memref<1x128xi32, #tpu.memory_space<vmem>> -> memref<128xi32, #tpu.memory_space<vmem>>
    %dma_wait3A_67 = arith.constant 0 : i32
    %dma_wait3A_68 = tpu.memref_slice %arg7[%dma_wait3A_67] : memref<10240xf32, #tpu.memory_space<vmem_shared>> -> memref<10240xf32, #tpu.memory_space<vmem_shared>>
    tpu.wait_indirect_dma semaphore(%arg11 : memref<!tpu.dma_semaphore, #tpu.memory_space<semaphore_mem>>) src(%arg5 : memref<128xf32, #tpu.memory_space<vmem>>) dst(%dma_wait3A_68 : memref<10240xf32, #tpu.memory_space<vmem_shared>>)
    %barrier3A_69 = arith.constant 0 : index
    tpu.barrier barrier_id(%barrier3A_69)
    %mul3A_70 = arith.constant 640 : i32
    %mul3A_71 = arith.muli %arg1, %mul3A_70 : i32
    %mul3A_72 = arith.constant 640 : i32
    %mul3A_73 = arith.muli %arg1, %mul3A_72 : i32
    "tpu.region"() ({
      %run_scoped3A = tpu.sem_alloc : memref<!tpu.dma_semaphore, #tpu.memory_space<semaphore_mem>>
      %dma_start3A_74 = tpu.memref_slice %arg3[%arg0, %mul3A_73] : memref<2x10240xf32, #tpu.memory_space<hbm>> -> memref<1x640xf32, #tpu.memory_space<hbm>>
      %dma_start3A_75 = tpu.memref_squeeze %dma_start3A_74 : memref<1x640xf32, #tpu.memory_space<hbm>> -> memref<640xf32, #tpu.memory_space<hbm>>
      %dma_start3A_76 = tpu.memref_slice %arg7[%mul3A_71] : memref<10240xf32, #tpu.memory_space<vmem_shared>> -> memref<640xf32, #tpu.memory_space<vmem_shared>>
      tpu.enqueue_dma source(%dma_start3A_76 : memref<640xf32, #tpu.memory_space<vmem_shared>>) target(%dma_start3A_75 : memref<640xf32, #tpu.memory_space<hbm>>) target_semaphore(%run_scoped3A : memref<!tpu.dma_semaphore, #tpu.memory_space<semaphore_mem>>)
      %dma_wait3A_77 = tpu.memref_slice %arg3[%arg0, %mul3A_73] : memref<2x10240xf32, #tpu.memory_space<hbm>> -> memref<1x640xf32, #tpu.memory_space<hbm>>
      %dma_wait3A_78 = tpu.memref_squeeze %dma_wait3A_77 : memref<1x640xf32, #tpu.memory_space<hbm>> -> memref<640xf32, #tpu.memory_space<hbm>>
      %dma_wait3A_79 = tpu.memref_slice %arg7[%mul3A_71] : memref<10240xf32, #tpu.memory_space<vmem_shared>> -> memref<640xf32, #tpu.memory_space<vmem_shared>>
      tpu.wait_dma2 semaphore(%run_scoped3A : memref<!tpu.dma_semaphore, #tpu.memory_space<semaphore_mem>>) src(%dma_wait3A_79 : memref<640xf32, #tpu.memory_space<vmem_shared>>) dst(%dma_wait3A_78 : memref<640xf32, #tpu.memory_space<hbm>>)
      tpu.yield
    }) : () -> ()
    return
  }
}

#map = affine_map<(d0, d1) -> (0, 0, 0)>
#map1 = affine_map<(d0, d1) -> (0, 0)>
module attributes {stable_mosaic.version = 14 : i64} {
  func.func @_msg_body(%arg0: i32, %arg1: i32, %arg2: memref<32x80x128xi32, #tpu.memory_space<hbm>>, %arg3: memref<32x80x128xi32, #tpu.memory_space<hbm>>, %arg4: memref<10000x128xf32, #tpu.memory_space<hbm>>, %arg5: memref<2x10240x128xf32, #tpu.memory_space<hbm>>, %arg6: memref<80x128xi32, #tpu.memory_space<vmem>>, %arg7: memref<2x128xi32, #tpu.memory_space<vmem>>, %arg8: memref<2x128x128xf32, #tpu.memory_space<vmem>>, %arg9: memref<10240x128xf32, #tpu.memory_space<vmem_shared>>, %arg10: memref<!tpu.dma_semaphore, #tpu.memory_space<semaphore_mem>>, %arg11: memref<!tpu.dma_semaphore, #tpu.memory_space<semaphore_mem>>, %arg12: memref<!tpu.dma_semaphore, #tpu.memory_space<semaphore_mem>>, %arg13: memref<!tpu.dma_semaphore, #tpu.memory_space<semaphore_mem>>) attributes {dimension_semantics = [#tpu.dimension_semantics<core_parallel>, #tpu.dimension_semantics<subcore_parallel>], iteration_bounds = array<i64: 2, 16>, scalar_prefetch = 0 : i64, scratch_operands = 8 : i64, tpu.core_type = #tpu.core_type<sc_vector_subcore>, window_params = [{transform_indices = #map}, {transform_indices = #map}, {transform_indices = #map1}, {transform_indices = #map}]} {
    %mul3A = arith.constant 2 : i32
    %mul3A_0 = arith.muli %arg1, %mul3A : i32
    %add3A = arith.addi %mul3A_0, %arg0 : i32
    %broadcast_in_dim3A = arith.constant 0.000000e+00 : f32
    %broadcast_in_dim3A_1 = vector.broadcast %broadcast_in_dim3A : f32 to vector<16xf32>
    %scan3A = arith.constant 0 : i32
    %scan3A_2 = arith.constant 0 : i32
    %scan3A_3 = arith.constant 1024 : i32
    %scan3A_4 = arith.addi %scan3A_2, %scan3A_3 : i32
    %scan3A_5 = arith.constant 1 : i32
    scf.for %scan3A_93 = %scan3A_2 to %scan3A_4 step %scan3A_5  : i32 {
      %shift_right_arithmetic3A = arith.constant 3 : i32
      %shift_right_arithmetic3A_94 = arith.shrsi %scan3A_93, %shift_right_arithmetic3A : i32
      %and3A = arith.constant 7 : i32
      %and3A_95 = arith.andi %scan3A_93, %and3A : i32
      %mul3A_96 = arith.constant 16 : i32
      %mul3A_97 = arith.muli %and3A_95, %mul3A_96 : i32
      %swap3A = arith.constant 0 : i32
      %swap3A_98 = arith.index_cast %swap3A : i32 to index
      %swap3A_99 = arith.index_cast %shift_right_arithmetic3A_94 : i32 to index
      %swap3A_100 = arith.index_cast %mul3A_97 : i32 to index
      %swap3A_101 = tpu.vector_load %arg8[%swap3A_98, %swap3A_99, %swap3A_100] {strides = array<i32>} : memref<2x128x128xf32, #tpu.memory_space<vmem>>, vector<1x1x16xf32>,
      %swap3A_102 = vector.shape_cast %swap3A_101 : vector<1x1x16xf32> to vector<16xf32>
      %swap3A_103 = vector.shape_cast %broadcast_in_dim3A_1 : vector<16xf32> to vector<1x1x16xf32>
      tpu.vector_store %arg8[%swap3A_98, %swap3A_99, %swap3A_100], %swap3A_103 {strides = array<i32>} : memref<2x128x128xf32, #tpu.memory_space<vmem>>, vector<1x1x16xf32>,
    }
    %scan3A_6 = arith.constant 1024 : i32
    %mul3A_7 = arith.constant 640 : i32
    %mul3A_8 = arith.muli %arg1, %mul3A_7 : i32
    %add3A_9 = arith.constant 0 : i32
    %add3A_10 = arith.addi %mul3A_8, %add3A_9 : i32
    %run_scoped3A = arith.constant 0 : i32
    "tpu.region"() ({
      %run_scoped3A_93 = tpu.sem_alloc : memref<!tpu.dma_semaphore, #tpu.memory_space<semaphore_mem>>
      %dma_start3A_94 = arith.constant 0 : i32
      %dma_start3A_95 = arith.constant 0 : i32
      %dma_start3A_96 = tpu.memref_slice %arg8[%run_scoped3A, %dma_start3A_94, %dma_start3A_95] : memref<2x128x128xf32, #tpu.memory_space<vmem>> -> memref<1x128x128xf32, #tpu.memory_space<vmem>>
      %dma_start3A_97 = tpu.memref_squeeze %dma_start3A_96 : memref<1x128x128xf32, #tpu.memory_space<vmem>> -> memref<128x128xf32, #tpu.memory_space<vmem>>
      %dma_start3A_98 = arith.constant 0 : i32
      %dma_start3A_99 = tpu.memref_slice %arg9[%add3A_10, %dma_start3A_98] : memref<10240x128xf32, #tpu.memory_space<vmem_shared>> -> memref<128x128xf32, #tpu.memory_space<vmem_shared>>
      %dma_start3A_100 = arith.constant 0 : i32
      %dma_start3A_101 = tpu.memref_slice %arg9[%add3A_10, %dma_start3A_100] : memref<10240x128xf32, #tpu.memory_space<vmem_shared>> -> memref<128x128xf32, #tpu.memory_space<vmem_shared>>
      %dma_start3A_102 = arith.constant 0 : i32
      %dma_start3A_103 = arith.constant 0 : i32
      %dma_start3A_104 = tpu.memref_slice %arg8[%run_scoped3A, %dma_start3A_102, %dma_start3A_103] : memref<2x128x128xf32, #tpu.memory_space<vmem>> -> memref<1x128x128xf32, #tpu.memory_space<vmem>>
      %dma_start3A_105 = tpu.memref_squeeze %dma_start3A_104 : memref<1x128x128xf32, #tpu.memory_space<vmem>> -> memref<128x128xf32, #tpu.memory_space<vmem>>
      tpu.enqueue_dma source(%dma_start3A_105 : memref<128x128xf32, #tpu.memory_space<vmem>>) target(%dma_start3A_101 : memref<128x128xf32, #tpu.memory_space<vmem_shared>>) target_semaphore(%run_scoped3A_93 : memref<!tpu.dma_semaphore, #tpu.memory_space<semaphore_mem>>)
      %dma_wait3A = arith.constant 0 : i32
      %dma_wait3A_106 = arith.constant 0 : i32
      %dma_wait3A_107 = tpu.memref_slice %arg8[%run_scoped3A, %dma_wait3A, %dma_wait3A_106] : memref<2x128x128xf32, #tpu.memory_space<vmem>> -> memref<1x128x128xf32, #tpu.memory_space<vmem>>
      %dma_wait3A_108 = tpu.memref_squeeze %dma_wait3A_107 : memref<1x128x128xf32, #tpu.memory_space<vmem>> -> memref<128x128xf32, #tpu.memory_space<vmem>>
      %dma_wait3A_109 = arith.constant 0 : i32
      %dma_wait3A_110 = tpu.memref_slice %arg9[%add3A_10, %dma_wait3A_109] : memref<10240x128xf32, #tpu.memory_space<vmem_shared>> -> memref<128x128xf32, #tpu.memory_space<vmem_shared>>
      %dma_wait3A_111 = arith.constant 0 : i32
      %dma_wait3A_112 = tpu.memref_slice %arg9[%add3A_10, %dma_wait3A_111] : memref<10240x128xf32, #tpu.memory_space<vmem_shared>> -> memref<128x128xf32, #tpu.memory_space<vmem_shared>>
      %dma_wait3A_113 = arith.constant 0 : i32
      %dma_wait3A_114 = arith.constant 0 : i32
      %dma_wait3A_115 = tpu.memref_slice %arg8[%run_scoped3A, %dma_wait3A_113, %dma_wait3A_114] : memref<2x128x128xf32, #tpu.memory_space<vmem>> -> memref<1x128x128xf32, #tpu.memory_space<vmem>>
      %dma_wait3A_116 = tpu.memref_squeeze %dma_wait3A_115 : memref<1x128x128xf32, #tpu.memory_space<vmem>> -> memref<128x128xf32, #tpu.memory_space<vmem>>
      tpu.wait_dma2 semaphore(%run_scoped3A_93 : memref<!tpu.dma_semaphore, #tpu.memory_space<semaphore_mem>>) src(%dma_wait3A_116 : memref<128x128xf32, #tpu.memory_space<vmem>>) dst(%dma_wait3A_112 : memref<128x128xf32, #tpu.memory_space<vmem_shared>>)
      tpu.yield
    }) : () -> ()
    %mul3A_11 = arith.constant 640 : i32
    %mul3A_12 = arith.muli %arg1, %mul3A_11 : i32
    %add3A_13 = arith.constant 128 : i32
    %add3A_14 = arith.addi %mul3A_12, %add3A_13 : i32
    %run_scoped3A_15 = arith.constant 0 : i32
    "tpu.region"() ({
      %run_scoped3A_93 = tpu.sem_alloc : memref<!tpu.dma_semaphore, #tpu.memory_space<semaphore_mem>>
      %dma_start3A_94 = arith.constant 0 : i32
      %dma_start3A_95 = arith.constant 0 : i32
      %dma_start3A_96 = tpu.memref_slice %arg8[%run_scoped3A_15, %dma_start3A_94, %dma_start3A_95] : memref<2x128x128xf32, #tpu.memory_space<vmem>> -> memref<1x128x128xf32, #tpu.memory_space<vmem>>
      %dma_start3A_97 = tpu.memref_squeeze %dma_start3A_96 : memref<1x128x128xf32, #tpu.memory_space<vmem>> -> memref<128x128xf32, #tpu.memory_space<vmem>>
      %dma_start3A_98 = arith.constant 0 : i32
      %dma_start3A_99 = tpu.memref_slice %arg9[%add3A_14, %dma_start3A_98] : memref<10240x128xf32, #tpu.memory_space<vmem_shared>> -> memref<128x128xf32, #tpu.memory_space<vmem_shared>>
      %dma_start3A_100 = arith.constant 0 : i32
      %dma_start3A_101 = tpu.memref_slice %arg9[%add3A_14, %dma_start3A_100] : memref<10240x128xf32, #tpu.memory_space<vmem_shared>> -> memref<128x128xf32, #tpu.memory_space<vmem_shared>>
      %dma_start3A_102 = arith.constant 0 : i32
      %dma_start3A_103 = arith.constant 0 : i32
      %dma_start3A_104 = tpu.memref_slice %arg8[%run_scoped3A_15, %dma_start3A_102, %dma_start3A_103] : memref<2x128x128xf32, #tpu.memory_space<vmem>> -> memref<1x128x128xf32, #tpu.memory_space<vmem>>
      %dma_start3A_105 = tpu.memref_squeeze %dma_start3A_104 : memref<1x128x128xf32, #tpu.memory_space<vmem>> -> memref<128x128xf32, #tpu.memory_space<vmem>>
      tpu.enqueue_dma source(%dma_start3A_105 : memref<128x128xf32, #tpu.memory_space<vmem>>) target(%dma_start3A_101 : memref<128x128xf32, #tpu.memory_space<vmem_shared>>) target_semaphore(%run_scoped3A_93 : memref<!tpu.dma_semaphore, #tpu.memory_space<semaphore_mem>>)
      %dma_wait3A = arith.constant 0 : i32
      %dma_wait3A_106 = arith.constant 0 : i32
      %dma_wait3A_107 = tpu.memref_slice %arg8[%run_scoped3A_15, %dma_wait3A, %dma_wait3A_106] : memref<2x128x128xf32, #tpu.memory_space<vmem>> -> memref<1x128x128xf32, #tpu.memory_space<vmem>>
      %dma_wait3A_108 = tpu.memref_squeeze %dma_wait3A_107 : memref<1x128x128xf32, #tpu.memory_space<vmem>> -> memref<128x128xf32, #tpu.memory_space<vmem>>
      %dma_wait3A_109 = arith.constant 0 : i32
      %dma_wait3A_110 = tpu.memref_slice %arg9[%add3A_14, %dma_wait3A_109] : memref<10240x128xf32, #tpu.memory_space<vmem_shared>> -> memref<128x128xf32, #tpu.memory_space<vmem_shared>>
      %dma_wait3A_111 = arith.constant 0 : i32
      %dma_wait3A_112 = tpu.memref_slice %arg9[%add3A_14, %dma_wait3A_111] : memref<10240x128xf32, #tpu.memory_space<vmem_shared>> -> memref<128x128xf32, #tpu.memory_space<vmem_shared>>
      %dma_wait3A_113 = arith.constant 0 : i32
      %dma_wait3A_114 = arith.constant 0 : i32
      %dma_wait3A_115 = tpu.memref_slice %arg8[%run_scoped3A_15, %dma_wait3A_113, %dma_wait3A_114] : memref<2x128x128xf32, #tpu.memory_space<vmem>> -> memref<1x128x128xf32, #tpu.memory_space<vmem>>
      %dma_wait3A_116 = tpu.memref_squeeze %dma_wait3A_115 : memref<1x128x128xf32, #tpu.memory_space<vmem>> -> memref<128x128xf32, #tpu.memory_space<vmem>>
      tpu.wait_dma2 semaphore(%run_scoped3A_93 : memref<!tpu.dma_semaphore, #tpu.memory_space<semaphore_mem>>) src(%dma_wait3A_116 : memref<128x128xf32, #tpu.memory_space<vmem>>) dst(%dma_wait3A_112 : memref<128x128xf32, #tpu.memory_space<vmem_shared>>)
      tpu.yield
    }) : () -> ()
    %mul3A_16 = arith.constant 640 : i32
    %mul3A_17 = arith.muli %arg1, %mul3A_16 : i32
    %add3A_18 = arith.constant 256 : i32
    %add3A_19 = arith.addi %mul3A_17, %add3A_18 : i32
    %run_scoped3A_20 = arith.constant 0 : i32
    "tpu.region"() ({
      %run_scoped3A_93 = tpu.sem_alloc : memref<!tpu.dma_semaphore, #tpu.memory_space<semaphore_mem>>
      %dma_start3A_94 = arith.constant 0 : i32
      %dma_start3A_95 = arith.constant 0 : i32
      %dma_start3A_96 = tpu.memref_slice %arg8[%run_scoped3A_20, %dma_start3A_94, %dma_start3A_95] : memref<2x128x128xf32, #tpu.memory_space<vmem>> -> memref<1x128x128xf32, #tpu.memory_space<vmem>>
      %dma_start3A_97 = tpu.memref_squeeze %dma_start3A_96 : memref<1x128x128xf32, #tpu.memory_space<vmem>> -> memref<128x128xf32, #tpu.memory_space<vmem>>
      %dma_start3A_98 = arith.constant 0 : i32
      %dma_start3A_99 = tpu.memref_slice %arg9[%add3A_19, %dma_start3A_98] : memref<10240x128xf32, #tpu.memory_space<vmem_shared>> -> memref<128x128xf32, #tpu.memory_space<vmem_shared>>
      %dma_start3A_100 = arith.constant 0 : i32
      %dma_start3A_101 = tpu.memref_slice %arg9[%add3A_19, %dma_start3A_100] : memref<10240x128xf32, #tpu.memory_space<vmem_shared>> -> memref<128x128xf32, #tpu.memory_space<vmem_shared>>
      %dma_start3A_102 = arith.constant 0 : i32
      %dma_start3A_103 = arith.constant 0 : i32
      %dma_start3A_104 = tpu.memref_slice %arg8[%run_scoped3A_20, %dma_start3A_102, %dma_start3A_103] : memref<2x128x128xf32, #tpu.memory_space<vmem>> -> memref<1x128x128xf32, #tpu.memory_space<vmem>>
      %dma_start3A_105 = tpu.memref_squeeze %dma_start3A_104 : memref<1x128x128xf32, #tpu.memory_space<vmem>> -> memref<128x128xf32, #tpu.memory_space<vmem>>
      tpu.enqueue_dma source(%dma_start3A_105 : memref<128x128xf32, #tpu.memory_space<vmem>>) target(%dma_start3A_101 : memref<128x128xf32, #tpu.memory_space<vmem_shared>>) target_semaphore(%run_scoped3A_93 : memref<!tpu.dma_semaphore, #tpu.memory_space<semaphore_mem>>)
      %dma_wait3A = arith.constant 0 : i32
      %dma_wait3A_106 = arith.constant 0 : i32
      %dma_wait3A_107 = tpu.memref_slice %arg8[%run_scoped3A_20, %dma_wait3A, %dma_wait3A_106] : memref<2x128x128xf32, #tpu.memory_space<vmem>> -> memref<1x128x128xf32, #tpu.memory_space<vmem>>
      %dma_wait3A_108 = tpu.memref_squeeze %dma_wait3A_107 : memref<1x128x128xf32, #tpu.memory_space<vmem>> -> memref<128x128xf32, #tpu.memory_space<vmem>>
      %dma_wait3A_109 = arith.constant 0 : i32
      %dma_wait3A_110 = tpu.memref_slice %arg9[%add3A_19, %dma_wait3A_109] : memref<10240x128xf32, #tpu.memory_space<vmem_shared>> -> memref<128x128xf32, #tpu.memory_space<vmem_shared>>
      %dma_wait3A_111 = arith.constant 0 : i32
      %dma_wait3A_112 = tpu.memref_slice %arg9[%add3A_19, %dma_wait3A_111] : memref<10240x128xf32, #tpu.memory_space<vmem_shared>> -> memref<128x128xf32, #tpu.memory_space<vmem_shared>>
      %dma_wait3A_113 = arith.constant 0 : i32
      %dma_wait3A_114 = arith.constant 0 : i32
      %dma_wait3A_115 = tpu.memref_slice %arg8[%run_scoped3A_20, %dma_wait3A_113, %dma_wait3A_114] : memref<2x128x128xf32, #tpu.memory_space<vmem>> -> memref<1x128x128xf32, #tpu.memory_space<vmem>>
      %dma_wait3A_116 = tpu.memref_squeeze %dma_wait3A_115 : memref<1x128x128xf32, #tpu.memory_space<vmem>> -> memref<128x128xf32, #tpu.memory_space<vmem>>
      tpu.wait_dma2 semaphore(%run_scoped3A_93 : memref<!tpu.dma_semaphore, #tpu.memory_space<semaphore_mem>>) src(%dma_wait3A_116 : memref<128x128xf32, #tpu.memory_space<vmem>>) dst(%dma_wait3A_112 : memref<128x128xf32, #tpu.memory_space<vmem_shared>>)
      tpu.yield
    }) : () -> ()
    %mul3A_21 = arith.constant 640 : i32
    %mul3A_22 = arith.muli %arg1, %mul3A_21 : i32
    %add3A_23 = arith.constant 384 : i32
    %add3A_24 = arith.addi %mul3A_22, %add3A_23 : i32
    %run_scoped3A_25 = arith.constant 0 : i32
    "tpu.region"() ({
      %run_scoped3A_93 = tpu.sem_alloc : memref<!tpu.dma_semaphore, #tpu.memory_space<semaphore_mem>>
      %dma_start3A_94 = arith.constant 0 : i32
      %dma_start3A_95 = arith.constant 0 : i32
      %dma_start3A_96 = tpu.memref_slice %arg8[%run_scoped3A_25, %dma_start3A_94, %dma_start3A_95] : memref<2x128x128xf32, #tpu.memory_space<vmem>> -> memref<1x128x128xf32, #tpu.memory_space<vmem>>
      %dma_start3A_97 = tpu.memref_squeeze %dma_start3A_96 : memref<1x128x128xf32, #tpu.memory_space<vmem>> -> memref<128x128xf32, #tpu.memory_space<vmem>>
      %dma_start3A_98 = arith.constant 0 : i32
      %dma_start3A_99 = tpu.memref_slice %arg9[%add3A_24, %dma_start3A_98] : memref<10240x128xf32, #tpu.memory_space<vmem_shared>> -> memref<128x128xf32, #tpu.memory_space<vmem_shared>>
      %dma_start3A_100 = arith.constant 0 : i32
      %dma_start3A_101 = tpu.memref_slice %arg9[%add3A_24, %dma_start3A_100] : memref<10240x128xf32, #tpu.memory_space<vmem_shared>> -> memref<128x128xf32, #tpu.memory_space<vmem_shared>>
      %dma_start3A_102 = arith.constant 0 : i32
      %dma_start3A_103 = arith.constant 0 : i32
      %dma_start3A_104 = tpu.memref_slice %arg8[%run_scoped3A_25, %dma_start3A_102, %dma_start3A_103] : memref<2x128x128xf32, #tpu.memory_space<vmem>> -> memref<1x128x128xf32, #tpu.memory_space<vmem>>
      %dma_start3A_105 = tpu.memref_squeeze %dma_start3A_104 : memref<1x128x128xf32, #tpu.memory_space<vmem>> -> memref<128x128xf32, #tpu.memory_space<vmem>>
      tpu.enqueue_dma source(%dma_start3A_105 : memref<128x128xf32, #tpu.memory_space<vmem>>) target(%dma_start3A_101 : memref<128x128xf32, #tpu.memory_space<vmem_shared>>) target_semaphore(%run_scoped3A_93 : memref<!tpu.dma_semaphore, #tpu.memory_space<semaphore_mem>>)
      %dma_wait3A = arith.constant 0 : i32
      %dma_wait3A_106 = arith.constant 0 : i32
      %dma_wait3A_107 = tpu.memref_slice %arg8[%run_scoped3A_25, %dma_wait3A, %dma_wait3A_106] : memref<2x128x128xf32, #tpu.memory_space<vmem>> -> memref<1x128x128xf32, #tpu.memory_space<vmem>>
      %dma_wait3A_108 = tpu.memref_squeeze %dma_wait3A_107 : memref<1x128x128xf32, #tpu.memory_space<vmem>> -> memref<128x128xf32, #tpu.memory_space<vmem>>
      %dma_wait3A_109 = arith.constant 0 : i32
      %dma_wait3A_110 = tpu.memref_slice %arg9[%add3A_24, %dma_wait3A_109] : memref<10240x128xf32, #tpu.memory_space<vmem_shared>> -> memref<128x128xf32, #tpu.memory_space<vmem_shared>>
      %dma_wait3A_111 = arith.constant 0 : i32
      %dma_wait3A_112 = tpu.memref_slice %arg9[%add3A_24, %dma_wait3A_111] : memref<10240x128xf32, #tpu.memory_space<vmem_shared>> -> memref<128x128xf32, #tpu.memory_space<vmem_shared>>
      %dma_wait3A_113 = arith.constant 0 : i32
      %dma_wait3A_114 = arith.constant 0 : i32
      %dma_wait3A_115 = tpu.memref_slice %arg8[%run_scoped3A_25, %dma_wait3A_113, %dma_wait3A_114] : memref<2x128x128xf32, #tpu.memory_space<vmem>> -> memref<1x128x128xf32, #tpu.memory_space<vmem>>
      %dma_wait3A_116 = tpu.memref_squeeze %dma_wait3A_115 : memref<1x128x128xf32, #tpu.memory_space<vmem>> -> memref<128x128xf32, #tpu.memory_space<vmem>>
      tpu.wait_dma2 semaphore(%run_scoped3A_93 : memref<!tpu.dma_semaphore, #tpu.memory_space<semaphore_mem>>) src(%dma_wait3A_116 : memref<128x128xf32, #tpu.memory_space<vmem>>) dst(%dma_wait3A_112 : memref<128x128xf32, #tpu.memory_space<vmem_shared>>)
      tpu.yield
    }) : () -> ()
    %mul3A_26 = arith.constant 640 : i32
    %mul3A_27 = arith.muli %arg1, %mul3A_26 : i32
    %add3A_28 = arith.constant 512 : i32
    %add3A_29 = arith.addi %mul3A_27, %add3A_28 : i32
    %run_scoped3A_30 = arith.constant 0 : i32
    "tpu.region"() ({
      %run_scoped3A_93 = tpu.sem_alloc : memref<!tpu.dma_semaphore, #tpu.memory_space<semaphore_mem>>
      %dma_start3A_94 = arith.constant 0 : i32
      %dma_start3A_95 = arith.constant 0 : i32
      %dma_start3A_96 = tpu.memref_slice %arg8[%run_scoped3A_30, %dma_start3A_94, %dma_start3A_95] : memref<2x128x128xf32, #tpu.memory_space<vmem>> -> memref<1x128x128xf32, #tpu.memory_space<vmem>>
      %dma_start3A_97 = tpu.memref_squeeze %dma_start3A_96 : memref<1x128x128xf32, #tpu.memory_space<vmem>> -> memref<128x128xf32, #tpu.memory_space<vmem>>
      %dma_start3A_98 = arith.constant 0 : i32
      %dma_start3A_99 = tpu.memref_slice %arg9[%add3A_29, %dma_start3A_98] : memref<10240x128xf32, #tpu.memory_space<vmem_shared>> -> memref<128x128xf32, #tpu.memory_space<vmem_shared>>
      %dma_start3A_100 = arith.constant 0 : i32
      %dma_start3A_101 = tpu.memref_slice %arg9[%add3A_29, %dma_start3A_100] : memref<10240x128xf32, #tpu.memory_space<vmem_shared>> -> memref<128x128xf32, #tpu.memory_space<vmem_shared>>
      %dma_start3A_102 = arith.constant 0 : i32
      %dma_start3A_103 = arith.constant 0 : i32
      %dma_start3A_104 = tpu.memref_slice %arg8[%run_scoped3A_30, %dma_start3A_102, %dma_start3A_103] : memref<2x128x128xf32, #tpu.memory_space<vmem>> -> memref<1x128x128xf32, #tpu.memory_space<vmem>>
      %dma_start3A_105 = tpu.memref_squeeze %dma_start3A_104 : memref<1x128x128xf32, #tpu.memory_space<vmem>> -> memref<128x128xf32, #tpu.memory_space<vmem>>
      tpu.enqueue_dma source(%dma_start3A_105 : memref<128x128xf32, #tpu.memory_space<vmem>>) target(%dma_start3A_101 : memref<128x128xf32, #tpu.memory_space<vmem_shared>>) target_semaphore(%run_scoped3A_93 : memref<!tpu.dma_semaphore, #tpu.memory_space<semaphore_mem>>)
      %dma_wait3A = arith.constant 0 : i32
      %dma_wait3A_106 = arith.constant 0 : i32
      %dma_wait3A_107 = tpu.memref_slice %arg8[%run_scoped3A_30, %dma_wait3A, %dma_wait3A_106] : memref<2x128x128xf32, #tpu.memory_space<vmem>> -> memref<1x128x128xf32, #tpu.memory_space<vmem>>
      %dma_wait3A_108 = tpu.memref_squeeze %dma_wait3A_107 : memref<1x128x128xf32, #tpu.memory_space<vmem>> -> memref<128x128xf32, #tpu.memory_space<vmem>>
      %dma_wait3A_109 = arith.constant 0 : i32
      %dma_wait3A_110 = tpu.memref_slice %arg9[%add3A_29, %dma_wait3A_109] : memref<10240x128xf32, #tpu.memory_space<vmem_shared>> -> memref<128x128xf32, #tpu.memory_space<vmem_shared>>
      %dma_wait3A_111 = arith.constant 0 : i32
      %dma_wait3A_112 = tpu.memref_slice %arg9[%add3A_29, %dma_wait3A_111] : memref<10240x128xf32, #tpu.memory_space<vmem_shared>> -> memref<128x128xf32, #tpu.memory_space<vmem_shared>>
      %dma_wait3A_113 = arith.constant 0 : i32
      %dma_wait3A_114 = arith.constant 0 : i32
      %dma_wait3A_115 = tpu.memref_slice %arg8[%run_scoped3A_30, %dma_wait3A_113, %dma_wait3A_114] : memref<2x128x128xf32, #tpu.memory_space<vmem>> -> memref<1x128x128xf32, #tpu.memory_space<vmem>>
      %dma_wait3A_116 = tpu.memref_squeeze %dma_wait3A_115 : memref<1x128x128xf32, #tpu.memory_space<vmem>> -> memref<128x128xf32, #tpu.memory_space<vmem>>
      tpu.wait_dma2 semaphore(%run_scoped3A_93 : memref<!tpu.dma_semaphore, #tpu.memory_space<semaphore_mem>>) src(%dma_wait3A_116 : memref<128x128xf32, #tpu.memory_space<vmem>>) dst(%dma_wait3A_112 : memref<128x128xf32, #tpu.memory_space<vmem_shared>>)
      tpu.yield
    }) : () -> ()
    "tpu.region"() ({
      %run_scoped3A_93 = tpu.sem_alloc : memref<!tpu.dma_semaphore, #tpu.memory_space<semaphore_mem>>
      %dma_start3A_94 = arith.constant 0 : i32
      %dma_start3A_95 = arith.constant 0 : i32
      %dma_start3A_96 = tpu.memref_slice %arg2[%add3A, %dma_start3A_94, %dma_start3A_95] : memref<32x80x128xi32, #tpu.memory_space<hbm>> -> memref<1x80x128xi32, #tpu.memory_space<hbm>>
      %dma_start3A_97 = tpu.memref_squeeze %dma_start3A_96 : memref<1x80x128xi32, #tpu.memory_space<hbm>> -> memref<80x128xi32, #tpu.memory_space<hbm>>
      %dma_start3A_98 = arith.constant 0 : i32
      %dma_start3A_99 = arith.constant 0 : i32
      %dma_start3A_100 = tpu.memref_slice %arg2[%add3A, %dma_start3A_98, %dma_start3A_99] : memref<32x80x128xi32, #tpu.memory_space<hbm>> -> memref<1x80x128xi32, #tpu.memory_space<hbm>>
      %dma_start3A_101 = tpu.memref_squeeze %dma_start3A_100 : memref<1x80x128xi32, #tpu.memory_space<hbm>> -> memref<80x128xi32, #tpu.memory_space<hbm>>
      tpu.enqueue_dma source(%dma_start3A_101 : memref<80x128xi32, #tpu.memory_space<hbm>>) target(%arg6 : memref<80x128xi32, #tpu.memory_space<vmem>>) target_semaphore(%run_scoped3A_93 : memref<!tpu.dma_semaphore, #tpu.memory_space<semaphore_mem>>)
      %dma_wait3A = arith.constant 0 : i32
      %dma_wait3A_102 = arith.constant 0 : i32
      %dma_wait3A_103 = tpu.memref_slice %arg2[%add3A, %dma_wait3A, %dma_wait3A_102] : memref<32x80x128xi32, #tpu.memory_space<hbm>> -> memref<1x80x128xi32, #tpu.memory_space<hbm>>
      %dma_wait3A_104 = tpu.memref_squeeze %dma_wait3A_103 : memref<1x80x128xi32, #tpu.memory_space<hbm>> -> memref<80x128xi32, #tpu.memory_space<hbm>>
      %dma_wait3A_105 = arith.constant 0 : i32
      %dma_wait3A_106 = arith.constant 0 : i32
      %dma_wait3A_107 = tpu.memref_slice %arg2[%add3A, %dma_wait3A_105, %dma_wait3A_106] : memref<32x80x128xi32, #tpu.memory_space<hbm>> -> memref<1x80x128xi32, #tpu.memory_space<hbm>>
      %dma_wait3A_108 = tpu.memref_squeeze %dma_wait3A_107 : memref<1x80x128xi32, #tpu.memory_space<hbm>> -> memref<80x128xi32, #tpu.memory_space<hbm>>
      tpu.wait_dma2 semaphore(%run_scoped3A_93 : memref<!tpu.dma_semaphore, #tpu.memory_space<semaphore_mem>>) src(%dma_wait3A_108 : memref<80x128xi32, #tpu.memory_space<hbm>>) dst(%arg6 : memref<80x128xi32, #tpu.memory_space<vmem>>)
      tpu.yield
    }) : () -> ()
    %barrier3A = arith.constant 0 : index
    tpu.barrier barrier_id(%barrier3A)
    %dma_start3A = arith.constant 0 : i32
    %dma_start3A_31 = arith.constant 0 : i32
    %dma_start3A_32 = arith.constant 0 : i32
    %dma_start3A_33 = tpu.memref_slice %arg7[%dma_start3A_31, %dma_start3A_32] : memref<2x128xi32, #tpu.memory_space<vmem>> -> memref<1x128xi32, #tpu.memory_space<vmem>>
    %dma_start3A_34 = tpu.memref_squeeze %dma_start3A_33 : memref<1x128xi32, #tpu.memory_space<vmem>> -> memref<128xi32, #tpu.memory_space<vmem>>
    %dma_start3A_35 = arith.constant 0 : i32
    %dma_start3A_36 = tpu.memref_slice %arg3[%add3A, %dma_start3A, %dma_start3A_35] : memref<32x80x128xi32, #tpu.memory_space<hbm>> -> memref<1x1x128xi32, #tpu.memory_space<hbm>>
    %dma_start3A_37 = tpu.memref_squeeze %dma_start3A_36 : memref<1x1x128xi32, #tpu.memory_space<hbm>> -> memref<128xi32, #tpu.memory_space<hbm>>
    %dma_start3A_38 = arith.constant 0 : i32
    %dma_start3A_39 = tpu.memref_slice %arg7[%dma_start3A_31, %dma_start3A_38] : memref<2x128xi32, #tpu.memory_space<vmem>> -> memref<1x128xi32, #tpu.memory_space<vmem>>
    %dma_start3A_40 = tpu.memref_squeeze %dma_start3A_39 : memref<1x128xi32, #tpu.memory_space<vmem>> -> memref<128xi32, #tpu.memory_space<vmem>>
    %dma_start3A_41 = arith.constant 0 : i32
    %dma_start3A_42 = tpu.memref_slice %arg3[%add3A, %dma_start3A, %dma_start3A_41] : memref<32x80x128xi32, #tpu.memory_space<hbm>> -> memref<1x1x128xi32, #tpu.memory_space<hbm>>
    %dma_start3A_43 = tpu.memref_squeeze %dma_start3A_42 : memref<1x1x128xi32, #tpu.memory_space<hbm>> -> memref<128xi32, #tpu.memory_space<hbm>>
    tpu.enqueue_dma source(%dma_start3A_43 : memref<128xi32, #tpu.memory_space<hbm>>) target(%dma_start3A_40 : memref<128xi32, #tpu.memory_space<vmem>>) target_semaphore(%arg12 : memref<!tpu.dma_semaphore, #tpu.memory_space<semaphore_mem>>)
    %dma_start3A_44 = arith.constant 0 : i32
    %dma_start3A_45 = arith.constant 0 : i32
    %dma_start3A_46 = arith.constant 0 : i32
    %dma_start3A_47 = arith.constant 0 : i32
    %dma_start3A_48 = tpu.memref_slice %arg8[%dma_start3A_45, %dma_start3A_46, %dma_start3A_47] : memref<2x128x128xf32, #tpu.memory_space<vmem>> -> memref<1x128x128xf32, #tpu.memory_space<vmem>>
    %dma_start3A_49 = tpu.memref_squeeze %dma_start3A_48 : memref<1x128x128xf32, #tpu.memory_space<vmem>> -> memref<128x128xf32, #tpu.memory_space<vmem>>
    %dma_start3A_50 = arith.constant 0 : i32
    %dma_start3A_51 = tpu.memref_slice %arg6[%dma_start3A_44, %dma_start3A_50] : memref<80x128xi32, #tpu.memory_space<vmem>> -> memref<1x128xi32, #tpu.memory_space<vmem>>
    %dma_start3A_52 = tpu.memref_squeeze %dma_start3A_51 : memref<1x128xi32, #tpu.memory_space<vmem>> -> memref<128xi32, #tpu.memory_space<vmem>>
    %dma_start3A_53 = arith.constant 0 : i32
    %dma_start3A_54 = arith.constant 0 : i32
    %dma_start3A_55 = tpu.memref_slice %arg4[%dma_start3A_53, %dma_start3A_54] : memref<10000x128xf32, #tpu.memory_space<hbm>> -> memref<10000x128xf32, #tpu.memory_space<hbm>>
    tpu.enqueue_indirect_dma source(%dma_start3A_55 : memref<10000x128xf32, #tpu.memory_space<hbm>>) target(%dma_start3A_49 : memref<128x128xf32, #tpu.memory_space<vmem>>) offsets(%dma_start3A_52 : memref<128xi32, #tpu.memory_space<vmem>>) semaphore(%arg10 : memref<!tpu.dma_semaphore, #tpu.memory_space<semaphore_mem>>)
    %dma_start3A_56 = arith.constant 1 : i32
    %dma_start3A_57 = arith.constant 1 : i32
    %dma_start3A_58 = arith.constant 0 : i32
    %dma_start3A_59 = tpu.memref_slice %arg7[%dma_start3A_57, %dma_start3A_58] : memref<2x128xi32, #tpu.memory_space<vmem>> -> memref<1x128xi32, #tpu.memory_space<vmem>>
    %dma_start3A_60 = tpu.memref_squeeze %dma_start3A_59 : memref<1x128xi32, #tpu.memory_space<vmem>> -> memref<128xi32, #tpu.memory_space<vmem>>
    %dma_start3A_61 = arith.constant 0 : i32
    %dma_start3A_62 = tpu.memref_slice %arg3[%add3A, %dma_start3A_56, %dma_start3A_61] : memref<32x80x128xi32, #tpu.memory_space<hbm>> -> memref<1x1x128xi32, #tpu.memory_space<hbm>>
    %dma_start3A_63 = tpu.memref_squeeze %dma_start3A_62 : memref<1x1x128xi32, #tpu.memory_space<hbm>> -> memref<128xi32, #tpu.memory_space<hbm>>
    %dma_start3A_64 = arith.constant 0 : i32
    %dma_start3A_65 = tpu.memref_slice %arg7[%dma_start3A_57, %dma_start3A_64] : memref<2x128xi32, #tpu.memory_space<vmem>> -> memref<1x128xi32, #tpu.memory_space<vmem>>
    %dma_start3A_66 = tpu.memref_squeeze %dma_start3A_65 : memref<1x128xi32, #tpu.memory_space<vmem>> -> memref<128xi32, #tpu.memory_space<vmem>>
    %dma_start3A_67 = arith.constant 0 : i32
    %dma_start3A_68 = tpu.memref_slice %arg3[%add3A, %dma_start3A_56, %dma_start3A_67] : memref<32x80x128xi32, #tpu.memory_space<hbm>> -> memref<1x1x128xi32, #tpu.memory_space<hbm>>
    %dma_start3A_69 = tpu.memref_squeeze %dma_start3A_68 : memref<1x1x128xi32, #tpu.memory_space<hbm>> -> memref<128xi32, #tpu.memory_space<hbm>>
    tpu.enqueue_dma source(%dma_start3A_69 : memref<128xi32, #tpu.memory_space<hbm>>) target(%dma_start3A_66 : memref<128xi32, #tpu.memory_space<vmem>>) target_semaphore(%arg13 : memref<!tpu.dma_semaphore, #tpu.memory_space<semaphore_mem>>)
    %dma_start3A_70 = arith.constant 1 : i32
    %dma_start3A_71 = arith.constant 1 : i32
    %dma_start3A_72 = arith.constant 0 : i32
    %dma_start3A_73 = arith.constant 0 : i32
    %dma_start3A_74 = tpu.memref_slice %arg8[%dma_start3A_71, %dma_start3A_72, %dma_start3A_73] : memref<2x128x128xf32, #tpu.memory_space<vmem>> -> memref<1x128x128xf32, #tpu.memory_space<vmem>>
    %dma_start3A_75 = tpu.memref_squeeze %dma_start3A_74 : memref<1x128x128xf32, #tpu.memory_space<vmem>> -> memref<128x128xf32, #tpu.memory_space<vmem>>
    %dma_start3A_76 = arith.constant 0 : i32
    %dma_start3A_77 = tpu.memref_slice %arg6[%dma_start3A_70, %dma_start3A_76] : memref<80x128xi32, #tpu.memory_space<vmem>> -> memref<1x128xi32, #tpu.memory_space<vmem>>
    %dma_start3A_78 = tpu.memref_squeeze %dma_start3A_77 : memref<1x128xi32, #tpu.memory_space<vmem>> -> memref<128xi32, #tpu.memory_space<vmem>>
    %dma_start3A_79 = arith.constant 0 : i32
    %dma_start3A_80 = arith.constant 0 : i32
    %dma_start3A_81 = tpu.memref_slice %arg4[%dma_start3A_79, %dma_start3A_80] : memref<10000x128xf32, #tpu.memory_space<hbm>> -> memref<10000x128xf32, #tpu.memory_space<hbm>>
    tpu.enqueue_indirect_dma source(%dma_start3A_81 : memref<10000x128xf32, #tpu.memory_space<hbm>>) target(%dma_start3A_75 : memref<128x128xf32, #tpu.memory_space<vmem>>) offsets(%dma_start3A_78 : memref<128xi32, #tpu.memory_space<vmem>>) semaphore(%arg11 : memref<!tpu.dma_semaphore, #tpu.memory_space<semaphore_mem>>)
    %scan3A_82 = arith.constant 0 : i32
    %scan3A_83 = arith.constant 0 : i32
    %scan3A_84 = arith.constant 40 : i32
    %scan3A_85 = arith.addi %scan3A_83, %scan3A_84 : i32
    %scan3A_86 = arith.constant 1 : i32
    scf.for %scan3A_93 = %scan3A_83 to %scan3A_85 step %scan3A_86  : i32 {
      %mul3A_94 = arith.constant 2 : i32
      %mul3A_95 = arith.muli %scan3A_93, %mul3A_94 : i32
      %dma_wait3A = arith.constant 0 : i32
      %dma_wait3A_96 = arith.constant 0 : i32
      %dma_wait3A_97 = arith.constant 0 : i32
      %dma_wait3A_98 = tpu.memref_slice %arg8[%dma_wait3A, %dma_wait3A_96, %dma_wait3A_97] : memref<2x128x128xf32, #tpu.memory_space<vmem>> -> memref<1x128x128xf32, #tpu.memory_space<vmem>>
      %dma_wait3A_99 = tpu.memref_squeeze %dma_wait3A_98 : memref<1x128x128xf32, #tpu.memory_space<vmem>> -> memref<128x128xf32, #tpu.memory_space<vmem>>
      %dma_wait3A_100 = arith.constant 0 : i32
      %dma_wait3A_101 = tpu.memref_slice %arg6[%mul3A_95, %dma_wait3A_100] : memref<80x128xi32, #tpu.memory_space<vmem>> -> memref<1x128xi32, #tpu.memory_space<vmem>>
      %dma_wait3A_102 = tpu.memref_squeeze %dma_wait3A_101 : memref<1x128xi32, #tpu.memory_space<vmem>> -> memref<128xi32, #tpu.memory_space<vmem>>
      %dma_wait3A_103 = arith.constant 0 : i32
      %dma_wait3A_104 = arith.constant 0 : i32
      %dma_wait3A_105 = tpu.memref_slice %arg4[%dma_wait3A_103, %dma_wait3A_104] : memref<10000x128xf32, #tpu.memory_space<hbm>> -> memref<10000x128xf32, #tpu.memory_space<hbm>>
      tpu.wait_indirect_dma semaphore(%arg10 : memref<!tpu.dma_semaphore, #tpu.memory_space<semaphore_mem>>) src(%dma_wait3A_105 : memref<10000x128xf32, #tpu.memory_space<hbm>>) dst(%dma_wait3A_99 : memref<128x128xf32, #tpu.memory_space<vmem>>)
      %dma_wait3A_106 = arith.constant 0 : i32
      %dma_wait3A_107 = arith.constant 0 : i32
      %dma_wait3A_108 = tpu.memref_slice %arg7[%dma_wait3A_106, %dma_wait3A_107] : memref<2x128xi32, #tpu.memory_space<vmem>> -> memref<1x128xi32, #tpu.memory_space<vmem>>
      %dma_wait3A_109 = tpu.memref_squeeze %dma_wait3A_108 : memref<1x128xi32, #tpu.memory_space<vmem>> -> memref<128xi32, #tpu.memory_space<vmem>>
      %dma_wait3A_110 = arith.constant 0 : i32
      %dma_wait3A_111 = tpu.memref_slice %arg3[%add3A, %mul3A_95, %dma_wait3A_110] : memref<32x80x128xi32, #tpu.memory_space<hbm>> -> memref<1x1x128xi32, #tpu.memory_space<hbm>>
      %dma_wait3A_112 = tpu.memref_squeeze %dma_wait3A_111 : memref<1x1x128xi32, #tpu.memory_space<hbm>> -> memref<128xi32, #tpu.memory_space<hbm>>
      %dma_wait3A_113 = arith.constant 0 : i32
      %dma_wait3A_114 = tpu.memref_slice %arg7[%dma_wait3A_106, %dma_wait3A_113] : memref<2x128xi32, #tpu.memory_space<vmem>> -> memref<1x128xi32, #tpu.memory_space<vmem>>
      %dma_wait3A_115 = tpu.memref_squeeze %dma_wait3A_114 : memref<1x128xi32, #tpu.memory_space<vmem>> -> memref<128xi32, #tpu.memory_space<vmem>>
      %dma_wait3A_116 = arith.constant 0 : i32
      %dma_wait3A_117 = tpu.memref_slice %arg3[%add3A, %mul3A_95, %dma_wait3A_116] : memref<32x80x128xi32, #tpu.memory_space<hbm>> -> memref<1x1x128xi32, #tpu.memory_space<hbm>>
      %dma_wait3A_118 = tpu.memref_squeeze %dma_wait3A_117 : memref<1x1x128xi32, #tpu.memory_space<hbm>> -> memref<128xi32, #tpu.memory_space<hbm>>
      tpu.wait_dma2 semaphore(%arg12 : memref<!tpu.dma_semaphore, #tpu.memory_space<semaphore_mem>>) src(%dma_wait3A_118 : memref<128xi32, #tpu.memory_space<hbm>>) dst(%dma_wait3A_115 : memref<128xi32, #tpu.memory_space<vmem>>)
      %run_scoped3A_119 = arith.constant 0 : i32
      %run_scoped3A_120 = arith.constant 0 : i32
      "tpu.region"() ({
        %run_scoped3A_160 = tpu.sem_alloc : memref<!tpu.dma_semaphore, #tpu.memory_space<semaphore_mem>>
        %dma_start3A_161 = arith.constant 0 : i32
        %dma_start3A_162 = arith.constant 0 : i32
        %dma_start3A_163 = tpu.memref_slice %arg8[%run_scoped3A_119, %dma_start3A_161, %dma_start3A_162] : memref<2x128x128xf32, #tpu.memory_space<vmem>> -> memref<1x128x128xf32, #tpu.memory_space<vmem>>
        %dma_start3A_164 = tpu.memref_squeeze %dma_start3A_163 : memref<1x128x128xf32, #tpu.memory_space<vmem>> -> memref<128x128xf32, #tpu.memory_space<vmem>>
        %dma_start3A_165 = arith.constant 0 : i32
        %dma_start3A_166 = tpu.memref_slice %arg7[%run_scoped3A_120, %dma_start3A_165] : memref<2x128xi32, #tpu.memory_space<vmem>> -> memref<1x128xi32, #tpu.memory_space<vmem>>
        %dma_start3A_167 = tpu.memref_squeeze %dma_start3A_166 : memref<1x128xi32, #tpu.memory_space<vmem>> -> memref<128xi32, #tpu.memory_space<vmem>>
        %dma_start3A_168 = arith.constant 0 : i32
        %dma_start3A_169 = arith.constant 0 : i32
        %dma_start3A_170 = tpu.memref_slice %arg9[%dma_start3A_168, %dma_start3A_169] : memref<10240x128xf32, #tpu.memory_space<vmem_shared>> -> memref<10240x128xf32, #tpu.memory_space<vmem_shared>>
        tpu.enqueue_indirect_dma source(%dma_start3A_164 : memref<128x128xf32, #tpu.memory_space<vmem>>) target(%dma_start3A_170 : memref<10240x128xf32, #tpu.memory_space<vmem_shared>>) offsets(%dma_start3A_167 : memref<128xi32, #tpu.memory_space<vmem>>) semaphore(%run_scoped3A_160 : memref<!tpu.dma_semaphore, #tpu.memory_space<semaphore_mem>>) {add = true}
        %dma_wait3A_171 = arith.constant 0 : i32
        %dma_wait3A_172 = arith.constant 0 : i32
        %dma_wait3A_173 = tpu.memref_slice %arg8[%run_scoped3A_119, %dma_wait3A_171, %dma_wait3A_172] : memref<2x128x128xf32, #tpu.memory_space<vmem>> -> memref<1x128x128xf32, #tpu.memory_space<vmem>>
        %dma_wait3A_174 = tpu.memref_squeeze %dma_wait3A_173 : memref<1x128x128xf32, #tpu.memory_space<vmem>> -> memref<128x128xf32, #tpu.memory_space<vmem>>
        %dma_wait3A_175 = arith.constant 0 : i32
        %dma_wait3A_176 = tpu.memref_slice %arg7[%run_scoped3A_120, %dma_wait3A_175] : memref<2x128xi32, #tpu.memory_space<vmem>> -> memref<1x128xi32, #tpu.memory_space<vmem>>
        %dma_wait3A_177 = tpu.memref_squeeze %dma_wait3A_176 : memref<1x128xi32, #tpu.memory_space<vmem>> -> memref<128xi32, #tpu.memory_space<vmem>>
        %dma_wait3A_178 = arith.constant 0 : i32
        %dma_wait3A_179 = arith.constant 0 : i32
        %dma_wait3A_180 = tpu.memref_slice %arg9[%dma_wait3A_178, %dma_wait3A_179] : memref<10240x128xf32, #tpu.memory_space<vmem_shared>> -> memref<10240x128xf32, #tpu.memory_space<vmem_shared>>
        tpu.wait_indirect_dma semaphore(%run_scoped3A_160 : memref<!tpu.dma_semaphore, #tpu.memory_space<semaphore_mem>>) src(%dma_wait3A_174 : memref<128x128xf32, #tpu.memory_space<vmem>>) dst(%dma_wait3A_180 : memref<10240x128xf32, #tpu.memory_space<vmem_shared>>)
        tpu.yield
      }) : () -> ()
      %add3A_121 = arith.constant 2 : i32
      %add3A_122 = arith.addi %mul3A_95, %add3A_121 : i32
      %lt3A = arith.constant 80 : i32
      %lt3A_123 = arith.cmpi slt, %add3A_122, %lt3A : i32
      %convert_element_type3A = arith.extui %lt3A_123 : i1 to i32
      %cond3A = arith.constant 0 : i32
      %cond3A_124 = arith.cmpi ne, %convert_element_type3A, %cond3A : i32
      scf.if %cond3A_124 {
        %add3A_160 = arith.constant 2 : i32
        %add3A_161 = arith.addi %mul3A_95, %add3A_160 : i32
        %dma_start3A_162 = arith.constant 0 : i32
        %dma_start3A_163 = arith.constant 0 : i32
        %dma_start3A_164 = tpu.memref_slice %arg7[%dma_start3A_162, %dma_start3A_163] : memref<2x128xi32, #tpu.memory_space<vmem>> -> memref<1x128xi32, #tpu.memory_space<vmem>>
        %dma_start3A_165 = tpu.memref_squeeze %dma_start3A_164 : memref<1x128xi32, #tpu.memory_space<vmem>> -> memref<128xi32, #tpu.memory_space<vmem>>
        %dma_start3A_166 = arith.constant 0 : i32
        %dma_start3A_167 = tpu.memref_slice %arg3[%add3A, %add3A_161, %dma_start3A_166] : memref<32x80x128xi32, #tpu.memory_space<hbm>> -> memref<1x1x128xi32, #tpu.memory_space<hbm>>
        %dma_start3A_168 = tpu.memref_squeeze %dma_start3A_167 : memref<1x1x128xi32, #tpu.memory_space<hbm>> -> memref<128xi32, #tpu.memory_space<hbm>>
        %dma_start3A_169 = arith.constant 0 : i32
        %dma_start3A_170 = tpu.memref_slice %arg7[%dma_start3A_162, %dma_start3A_169] : memref<2x128xi32, #tpu.memory_space<vmem>> -> memref<1x128xi32, #tpu.memory_space<vmem>>
        %dma_start3A_171 = tpu.memref_squeeze %dma_start3A_170 : memref<1x128xi32, #tpu.memory_space<vmem>> -> memref<128xi32, #tpu.memory_space<vmem>>
        %dma_start3A_172 = arith.constant 0 : i32
        %dma_start3A_173 = tpu.memref_slice %arg3[%add3A, %add3A_161, %dma_start3A_172] : memref<32x80x128xi32, #tpu.memory_space<hbm>> -> memref<1x1x128xi32, #tpu.memory_space<hbm>>
        %dma_start3A_174 = tpu.memref_squeeze %dma_start3A_173 : memref<1x1x128xi32, #tpu.memory_space<hbm>> -> memref<128xi32, #tpu.memory_space<hbm>>
        tpu.enqueue_dma source(%dma_start3A_174 : memref<128xi32, #tpu.memory_space<hbm>>) target(%dma_start3A_171 : memref<128xi32, #tpu.memory_space<vmem>>) target_semaphore(%arg12 : memref<!tpu.dma_semaphore, #tpu.memory_space<semaphore_mem>>)
        %dma_start3A_175 = arith.constant 0 : i32
        %dma_start3A_176 = arith.constant 0 : i32
        %dma_start3A_177 = arith.constant 0 : i32
        %dma_start3A_178 = tpu.memref_slice %arg8[%dma_start3A_175, %dma_start3A_176, %dma_start3A_177] : memref<2x128x128xf32, #tpu.memory_space<vmem>> -> memref<1x128x128xf32, #tpu.memory_space<vmem>>
        %dma_start3A_179 = tpu.memref_squeeze %dma_start3A_178 : memref<1x128x128xf32, #tpu.memory_space<vmem>> -> memref<128x128xf32, #tpu.memory_space<vmem>>
        %dma_start3A_180 = arith.constant 0 : i32
        %dma_start3A_181 = tpu.memref_slice %arg6[%add3A_161, %dma_start3A_180] : memref<80x128xi32, #tpu.memory_space<vmem>> -> memref<1x128xi32, #tpu.memory_space<vmem>>
        %dma_start3A_182 = tpu.memref_squeeze %dma_start3A_181 : memref<1x128xi32, #tpu.memory_space<vmem>> -> memref<128xi32, #tpu.memory_space<vmem>>
        %dma_start3A_183 = arith.constant 0 : i32
        %dma_start3A_184 = arith.constant 0 : i32
        %dma_start3A_185 = tpu.memref_slice %arg4[%dma_start3A_183, %dma_start3A_184] : memref<10000x128xf32, #tpu.memory_space<hbm>> -> memref<10000x128xf32, #tpu.memory_space<hbm>>
        tpu.enqueue_indirect_dma source(%dma_start3A_185 : memref<10000x128xf32, #tpu.memory_space<hbm>>) target(%dma_start3A_179 : memref<128x128xf32, #tpu.memory_space<vmem>>) offsets(%dma_start3A_182 : memref<128xi32, #tpu.memory_space<vmem>>) semaphore(%arg10 : memref<!tpu.dma_semaphore, #tpu.memory_space<semaphore_mem>>)
      } else {
      }
      %add3A_125 = arith.constant 1 : i32
      %add3A_126 = arith.addi %mul3A_95, %add3A_125 : i32
      %dma_wait3A_127 = arith.constant 1 : i32
      %dma_wait3A_128 = arith.constant 0 : i32
      %dma_wait3A_129 = arith.constant 0 : i32
      %dma_wait3A_130 = tpu.memref_slice %arg8[%dma_wait3A_127, %dma_wait3A_128, %dma_wait3A_129] : memref<2x128x128xf32, #tpu.memory_space<vmem>> -> memref<1x128x128xf32, #tpu.memory_space<vmem>>
      %dma_wait3A_131 = tpu.memref_squeeze %dma_wait3A_130 : memref<1x128x128xf32, #tpu.memory_space<vmem>> -> memref<128x128xf32, #tpu.memory_space<vmem>>
      %dma_wait3A_132 = arith.constant 0 : i32
      %dma_wait3A_133 = tpu.memref_slice %arg6[%add3A_126, %dma_wait3A_132] : memref<80x128xi32, #tpu.memory_space<vmem>> -> memref<1x128xi32, #tpu.memory_space<vmem>>
      %dma_wait3A_134 = tpu.memref_squeeze %dma_wait3A_133 : memref<1x128xi32, #tpu.memory_space<vmem>> -> memref<128xi32, #tpu.memory_space<vmem>>
      %dma_wait3A_135 = arith.constant 0 : i32
      %dma_wait3A_136 = arith.constant 0 : i32
      %dma_wait3A_137 = tpu.memref_slice %arg4[%dma_wait3A_135, %dma_wait3A_136] : memref<10000x128xf32, #tpu.memory_space<hbm>> -> memref<10000x128xf32, #tpu.memory_space<hbm>>
      tpu.wait_indirect_dma semaphore(%arg11 : memref<!tpu.dma_semaphore, #tpu.memory_space<semaphore_mem>>) src(%dma_wait3A_137 : memref<10000x128xf32, #tpu.memory_space<hbm>>) dst(%dma_wait3A_131 : memref<128x128xf32, #tpu.memory_space<vmem>>)
      %dma_wait3A_138 = arith.constant 1 : i32
      %dma_wait3A_139 = arith.constant 0 : i32
      %dma_wait3A_140 = tpu.memref_slice %arg7[%dma_wait3A_138, %dma_wait3A_139] : memref<2x128xi32, #tpu.memory_space<vmem>> -> memref<1x128xi32, #tpu.memory_space<vmem>>
      %dma_wait3A_141 = tpu.memref_squeeze %dma_wait3A_140 : memref<1x128xi32, #tpu.memory_space<vmem>> -> memref<128xi32, #tpu.memory_space<vmem>>
      %dma_wait3A_142 = arith.constant 0 : i32
      %dma_wait3A_143 = tpu.memref_slice %arg3[%add3A, %add3A_126, %dma_wait3A_142] : memref<32x80x128xi32, #tpu.memory_space<hbm>> -> memref<1x1x128xi32, #tpu.memory_space<hbm>>
      %dma_wait3A_144 = tpu.memref_squeeze %dma_wait3A_143 : memref<1x1x128xi32, #tpu.memory_space<hbm>> -> memref<128xi32, #tpu.memory_space<hbm>>
      %dma_wait3A_145 = arith.constant 0 : i32
      %dma_wait3A_146 = tpu.memref_slice %arg7[%dma_wait3A_138, %dma_wait3A_145] : memref<2x128xi32, #tpu.memory_space<vmem>> -> memref<1x128xi32, #tpu.memory_space<vmem>>
      %dma_wait3A_147 = tpu.memref_squeeze %dma_wait3A_146 : memref<1x128xi32, #tpu.memory_space<vmem>> -> memref<128xi32, #tpu.memory_space<vmem>>
      %dma_wait3A_148 = arith.constant 0 : i32
      %dma_wait3A_149 = tpu.memref_slice %arg3[%add3A, %add3A_126, %dma_wait3A_148] : memref<32x80x128xi32, #tpu.memory_space<hbm>> -> memref<1x1x128xi32, #tpu.memory_space<hbm>>
      %dma_wait3A_150 = tpu.memref_squeeze %dma_wait3A_149 : memref<1x1x128xi32, #tpu.memory_space<hbm>> -> memref<128xi32, #tpu.memory_space<hbm>>
      tpu.wait_dma2 semaphore(%arg13 : memref<!tpu.dma_semaphore, #tpu.memory_space<semaphore_mem>>) src(%dma_wait3A_150 : memref<128xi32, #tpu.memory_space<hbm>>) dst(%dma_wait3A_147 : memref<128xi32, #tpu.memory_space<vmem>>)
      %run_scoped3A_151 = arith.constant 1 : i32
      %run_scoped3A_152 = arith.constant 1 : i32
      "tpu.region"() ({
        %run_scoped3A_160 = tpu.sem_alloc : memref<!tpu.dma_semaphore, #tpu.memory_space<semaphore_mem>>
        %dma_start3A_161 = arith.constant 0 : i32
        %dma_start3A_162 = arith.constant 0 : i32
        %dma_start3A_163 = tpu.memref_slice %arg8[%run_scoped3A_151, %dma_start3A_161, %dma_start3A_162] : memref<2x128x128xf32, #tpu.memory_space<vmem>> -> memref<1x128x128xf32, #tpu.memory_space<vmem>>
        %dma_start3A_164 = tpu.memref_squeeze %dma_start3A_163 : memref<1x128x128xf32, #tpu.memory_space<vmem>> -> memref<128x128xf32, #tpu.memory_space<vmem>>
        %dma_start3A_165 = arith.constant 0 : i32
        %dma_start3A_166 = tpu.memref_slice %arg7[%run_scoped3A_152, %dma_start3A_165] : memref<2x128xi32, #tpu.memory_space<vmem>> -> memref<1x128xi32, #tpu.memory_space<vmem>>
        %dma_start3A_167 = tpu.memref_squeeze %dma_start3A_166 : memref<1x128xi32, #tpu.memory_space<vmem>> -> memref<128xi32, #tpu.memory_space<vmem>>
        %dma_start3A_168 = arith.constant 0 : i32
        %dma_start3A_169 = arith.constant 0 : i32
        %dma_start3A_170 = tpu.memref_slice %arg9[%dma_start3A_168, %dma_start3A_169] : memref<10240x128xf32, #tpu.memory_space<vmem_shared>> -> memref<10240x128xf32, #tpu.memory_space<vmem_shared>>
        tpu.enqueue_indirect_dma source(%dma_start3A_164 : memref<128x128xf32, #tpu.memory_space<vmem>>) target(%dma_start3A_170 : memref<10240x128xf32, #tpu.memory_space<vmem_shared>>) offsets(%dma_start3A_167 : memref<128xi32, #tpu.memory_space<vmem>>) semaphore(%run_scoped3A_160 : memref<!tpu.dma_semaphore, #tpu.memory_space<semaphore_mem>>) {add = true}
        %dma_wait3A_171 = arith.constant 0 : i32
        %dma_wait3A_172 = arith.constant 0 : i32
        %dma_wait3A_173 = tpu.memref_slice %arg8[%run_scoped3A_151, %dma_wait3A_171, %dma_wait3A_172] : memref<2x128x128xf32, #tpu.memory_space<vmem>> -> memref<1x128x128xf32, #tpu.memory_space<vmem>>
        %dma_wait3A_174 = tpu.memref_squeeze %dma_wait3A_173 : memref<1x128x128xf32, #tpu.memory_space<vmem>> -> memref<128x128xf32, #tpu.memory_space<vmem>>
        %dma_wait3A_175 = arith.constant 0 : i32
        %dma_wait3A_176 = tpu.memref_slice %arg7[%run_scoped3A_152, %dma_wait3A_175] : memref<2x128xi32, #tpu.memory_space<vmem>> -> memref<1x128xi32, #tpu.memory_space<vmem>>
        %dma_wait3A_177 = tpu.memref_squeeze %dma_wait3A_176 : memref<1x128xi32, #tpu.memory_space<vmem>> -> memref<128xi32, #tpu.memory_space<vmem>>
        %dma_wait3A_178 = arith.constant 0 : i32
        %dma_wait3A_179 = arith.constant 0 : i32
        %dma_wait3A_180 = tpu.memref_slice %arg9[%dma_wait3A_178, %dma_wait3A_179] : memref<10240x128xf32, #tpu.memory_space<vmem_shared>> -> memref<10240x128xf32, #tpu.memory_space<vmem_shared>>
        tpu.wait_indirect_dma semaphore(%run_scoped3A_160 : memref<!tpu.dma_semaphore, #tpu.memory_space<semaphore_mem>>) src(%dma_wait3A_174 : memref<128x128xf32, #tpu.memory_space<vmem>>) dst(%dma_wait3A_180 : memref<10240x128xf32, #tpu.memory_space<vmem_shared>>)
        tpu.yield
      }) : () -> ()
      %add3A_153 = arith.constant 3 : i32
      %add3A_154 = arith.addi %mul3A_95, %add3A_153 : i32
      %lt3A_155 = arith.constant 80 : i32
      %lt3A_156 = arith.cmpi slt, %add3A_154, %lt3A_155 : i32
      %convert_element_type3A_157 = arith.extui %lt3A_156 : i1 to i32
      %cond3A_158 = arith.constant 0 : i32
      %cond3A_159 = arith.cmpi ne, %convert_element_type3A_157, %cond3A_158 : i32
      scf.if %cond3A_159 {
        %add3A_160 = arith.constant 3 : i32
        %add3A_161 = arith.addi %mul3A_95, %add3A_160 : i32
        %dma_start3A_162 = arith.constant 1 : i32
        %dma_start3A_163 = arith.constant 0 : i32
        %dma_start3A_164 = tpu.memref_slice %arg7[%dma_start3A_162, %dma_start3A_163] : memref<2x128xi32, #tpu.memory_space<vmem>> -> memref<1x128xi32, #tpu.memory_space<vmem>>
        %dma_start3A_165 = tpu.memref_squeeze %dma_start3A_164 : memref<1x128xi32, #tpu.memory_space<vmem>> -> memref<128xi32, #tpu.memory_space<vmem>>
        %dma_start3A_166 = arith.constant 0 : i32
        %dma_start3A_167 = tpu.memref_slice %arg3[%add3A, %add3A_161, %dma_start3A_166] : memref<32x80x128xi32, #tpu.memory_space<hbm>> -> memref<1x1x128xi32, #tpu.memory_space<hbm>>
        %dma_start3A_168 = tpu.memref_squeeze %dma_start3A_167 : memref<1x1x128xi32, #tpu.memory_space<hbm>> -> memref<128xi32, #tpu.memory_space<hbm>>
        %dma_start3A_169 = arith.constant 0 : i32
        %dma_start3A_170 = tpu.memref_slice %arg7[%dma_start3A_162, %dma_start3A_169] : memref<2x128xi32, #tpu.memory_space<vmem>> -> memref<1x128xi32, #tpu.memory_space<vmem>>
        %dma_start3A_171 = tpu.memref_squeeze %dma_start3A_170 : memref<1x128xi32, #tpu.memory_space<vmem>> -> memref<128xi32, #tpu.memory_space<vmem>>
        %dma_start3A_172 = arith.constant 0 : i32
        %dma_start3A_173 = tpu.memref_slice %arg3[%add3A, %add3A_161, %dma_start3A_172] : memref<32x80x128xi32, #tpu.memory_space<hbm>> -> memref<1x1x128xi32, #tpu.memory_space<hbm>>
        %dma_start3A_174 = tpu.memref_squeeze %dma_start3A_173 : memref<1x1x128xi32, #tpu.memory_space<hbm>> -> memref<128xi32, #tpu.memory_space<hbm>>
        tpu.enqueue_dma source(%dma_start3A_174 : memref<128xi32, #tpu.memory_space<hbm>>) target(%dma_start3A_171 : memref<128xi32, #tpu.memory_space<vmem>>) target_semaphore(%arg13 : memref<!tpu.dma_semaphore, #tpu.memory_space<semaphore_mem>>)
        %dma_start3A_175 = arith.constant 1 : i32
        %dma_start3A_176 = arith.constant 0 : i32
        %dma_start3A_177 = arith.constant 0 : i32
        %dma_start3A_178 = tpu.memref_slice %arg8[%dma_start3A_175, %dma_start3A_176, %dma_start3A_177] : memref<2x128x128xf32, #tpu.memory_space<vmem>> -> memref<1x128x128xf32, #tpu.memory_space<vmem>>
        %dma_start3A_179 = tpu.memref_squeeze %dma_start3A_178 : memref<1x128x128xf32, #tpu.memory_space<vmem>> -> memref<128x128xf32, #tpu.memory_space<vmem>>
        %dma_start3A_180 = arith.constant 0 : i32
        %dma_start3A_181 = tpu.memref_slice %arg6[%add3A_161, %dma_start3A_180] : memref<80x128xi32, #tpu.memory_space<vmem>> -> memref<1x128xi32, #tpu.memory_space<vmem>>
        %dma_start3A_182 = tpu.memref_squeeze %dma_start3A_181 : memref<1x128xi32, #tpu.memory_space<vmem>> -> memref<128xi32, #tpu.memory_space<vmem>>
        %dma_start3A_183 = arith.constant 0 : i32
        %dma_start3A_184 = arith.constant 0 : i32
        %dma_start3A_185 = tpu.memref_slice %arg4[%dma_start3A_183, %dma_start3A_184] : memref<10000x128xf32, #tpu.memory_space<hbm>> -> memref<10000x128xf32, #tpu.memory_space<hbm>>
        tpu.enqueue_indirect_dma source(%dma_start3A_185 : memref<10000x128xf32, #tpu.memory_space<hbm>>) target(%dma_start3A_179 : memref<128x128xf32, #tpu.memory_space<vmem>>) offsets(%dma_start3A_182 : memref<128xi32, #tpu.memory_space<vmem>>) semaphore(%arg11 : memref<!tpu.dma_semaphore, #tpu.memory_space<semaphore_mem>>)
      } else {
      }
    }
    %scan3A_87 = arith.constant 40 : i32
    %barrier3A_88 = arith.constant 0 : index
    tpu.barrier barrier_id(%barrier3A_88)
    %mul3A_89 = arith.constant 640 : i32
    %mul3A_90 = arith.muli %arg1, %mul3A_89 : i32
    %mul3A_91 = arith.constant 640 : i32
    %mul3A_92 = arith.muli %arg1, %mul3A_91 : i32
    "tpu.region"() ({
      %run_scoped3A_93 = tpu.sem_alloc : memref<!tpu.dma_semaphore, #tpu.memory_space<semaphore_mem>>
      %dma_start3A_94 = arith.constant 0 : i32
      %dma_start3A_95 = tpu.memref_slice %arg5[%arg0, %mul3A_92, %dma_start3A_94] : memref<2x10240x128xf32, #tpu.memory_space<hbm>> -> memref<1x640x128xf32, #tpu.memory_space<hbm>>
      %dma_start3A_96 = tpu.memref_squeeze %dma_start3A_95 : memref<1x640x128xf32, #tpu.memory_space<hbm>> -> memref<640x128xf32, #tpu.memory_space<hbm>>
      %dma_start3A_97 = arith.constant 0 : i32
      %dma_start3A_98 = tpu.memref_slice %arg9[%mul3A_90, %dma_start3A_97] : memref<10240x128xf32, #tpu.memory_space<vmem_shared>> -> memref<640x128xf32, #tpu.memory_space<vmem_shared>>
      tpu.enqueue_dma source(%dma_start3A_98 : memref<640x128xf32, #tpu.memory_space<vmem_shared>>) target(%dma_start3A_96 : memref<640x128xf32, #tpu.memory_space<hbm>>) target_semaphore(%run_scoped3A_93 : memref<!tpu.dma_semaphore, #tpu.memory_space<semaphore_mem>>)
      %dma_wait3A = arith.constant 0 : i32
      %dma_wait3A_99 = tpu.memref_slice %arg5[%arg0, %mul3A_92, %dma_wait3A] : memref<2x10240x128xf32, #tpu.memory_space<hbm>> -> memref<1x640x128xf32, #tpu.memory_space<hbm>>
      %dma_wait3A_100 = tpu.memref_squeeze %dma_wait3A_99 : memref<1x640x128xf32, #tpu.memory_space<hbm>> -> memref<640x128xf32, #tpu.memory_space<hbm>>
      %dma_wait3A_101 = arith.constant 0 : i32
      %dma_wait3A_102 = tpu.memref_slice %arg9[%mul3A_90, %dma_wait3A_101] : memref<10240x128xf32, #tpu.memory_space<vmem_shared>> -> memref<640x128xf32, #tpu.memory_space<vmem_shared>>
      tpu.wait_dma2 semaphore(%run_scoped3A_93 : memref<!tpu.dma_semaphore, #tpu.memory_space<semaphore_mem>>) src(%dma_wait3A_102 : memref<640x128xf32, #tpu.memory_space<vmem_shared>>) dst(%dma_wait3A_100 : memref<640x128xf32, #tpu.memory_space<hbm>>)
      tpu.yield
    }) : () -> ()
    return
  }
}

module attributes {stable_mosaic.version = 14 : i64} {
  func.func @_hs_body(%arg0: i32, %arg1: memref<1000x128xf32, #tpu.memory_space<vmem>>, %arg2: memref<128x128xf32, #tpu.memory_space<vmem>>, %arg3: memref<2x1000x1xf32, #tpu.memory_space<vmem>>, %arg4: memref<1000x128xf32, #tpu.memory_space<vmem>>) attributes {dimension_semantics = [#tpu.dimension_semantics<arbitrary>], iteration_bounds = array<i64: 10>, scalar_prefetch = 0 : i64, scratch_operands = 0 : i64, tpu.core_type = #tpu.core_type<tc>, window_params = [{transform_indices = @transform_0, window_bounds = array<i64: 1000, 128>}, {pipeline_mode = #tpu.pipeline_mode<synchronous>, transform_indices = @transform_1, window_bounds = array<i64: 128, 128>}, {transform_indices = @transform_2, window_bounds = array<i64: 2, 1000, 1>}, {transform_indices = @transform_3, window_bounds = array<i64: 1000, 128>}]} {
    %get3A = arith.constant 0 : index
    %get3A_0 = arith.constant 0 : index
    %get3A_1 = vector.load %arg1[%get3A, %get3A_0] : memref<1000x128xf32, #tpu.memory_space<vmem>>, vector<1000x128xf32>
    %get3A_2 = arith.constant 0 : index
    %get3A_3 = arith.constant 0 : index
    %get3A_4 = vector.load %arg2[%get3A_2, %get3A_3] : memref<128x128xf32, #tpu.memory_space<vmem>>, vector<128x128xf32>
    %dot_general3A = arith.constant dense<0.000000e+00> : vector<1000x128xf32>
    %dot_general3A_5 = tpu.matmul %get3A_1, %get3A_4, %dot_general3A {dimension_numbers = #tpu.dot_dimension_numbers<[1], [0], [0], [1], [0, 0, 1, 1], [], []>, transpose_lhs_hint = false} : vector<1000x128xf32>, vector<128x128xf32>, vector<1000x128xf32> -> vector<1000x128xf32>
    %get3A_6 = arith.constant 0 : index
    %get3A_7 = arith.constant 0 : index
    %get3A_8 = arith.constant 0 : index
    %get3A_9 = vector.load %arg3[%get3A_6, %get3A_7, %get3A_8] : memref<2x1000x1xf32, #tpu.memory_space<vmem>>, vector<2x1000x1xf32>
    %reduce_sum3A = arith.constant dense<0.000000e+00> : vector<1000xf32>
    %reduce_sum3A_10 = vector.multi_reduction <add>, %get3A_9, %reduce_sum3A [0, 2] : vector<2x1000x1xf32> to vector<1000xf32>
    %add3A = arith.constant 1.000000e+00 : f32
    %add3A_11 = vector.broadcast %add3A : f32 to vector<1000xf32>
    %add3A_12 = arith.addf %reduce_sum3A_10, %add3A_11 : vector<1000xf32>
    %rsqrt3A = math.rsqrt %add3A_12 : vector<1000xf32>
    %broadcast_in_dim3A = vector.shape_cast %rsqrt3A : vector<1000xf32> to vector<1000x1xf32>
    %mul3A = vector.broadcast %broadcast_in_dim3A : vector<1000x1xf32> to vector<1000x128xf32>
    %mul3A_13 = arith.mulf %dot_general3A_5, %mul3A : vector<1000x128xf32>
    %swap3A = arith.constant 0 : index
    %swap3A_14 = arith.constant 0 : index
    %swap3A_15 = vector.load %arg4[%swap3A, %swap3A_14] : memref<1000x128xf32, #tpu.memory_space<vmem>>, vector<1000x128xf32>
    tpu.vector_store %arg4[%swap3A, %swap3A_14], %mul3A_13 {strides = array<i32>} : memref<1000x128xf32, #tpu.memory_space<vmem>>, vector<1000x128xf32>,
    return
  }
  func.func @transform_0(%arg0: i32) -> (i32, i32) {
    %c0_i32 = arith.constant 0 : i32
    %c0_i32_0 = arith.constant 0 : i32
    return %arg0, %c0_i32 : i32, i32
  }
  func.func @transform_1(%arg0: i32) -> (i32, i32) {
    %c0_i32 = arith.constant 0 : i32
    %c0_i32_0 = arith.constant 0 : i32
    %c0_i32_1 = arith.constant 0 : i32
    return %c0_i32, %c0_i32_0 : i32, i32
  }
  func.func @transform_2(%arg0: i32) -> (i32, i32, i32) {
    %c0_i32 = arith.constant 0 : i32
    %c0_i32_0 = arith.constant 0 : i32
    %c0_i32_1 = arith.constant 0 : i32
    return %c0_i32, %arg0, %c0_i32_0 : i32, i32, i32
  }
  func.func @transform_3(%arg0: i32) -> (i32, i32) {
    %c0_i32 = arith.constant 0 : i32
    %c0_i32_0 = arith.constant 0 : i32
    return %arg0, %c0_i32 : i32, i32
  }
}

module attributes {stable_mosaic.version = 14 : i64} {
  func.func @_fin_body(%arg0: i32, %arg1: memref<1x1000x128xf32, #tpu.memory_space<vmem>>, %arg2: memref<1x1000x128xf32, #tpu.memory_space<vmem>>, %arg3: memref<1000x128xf32, #tpu.memory_space<vmem>>, %arg4: memref<2x1000x1xf32, #tpu.memory_space<vmem>>, %arg5: memref<1x128xf32, #tpu.memory_space<vmem>>, %arg6: memref<1000x128xf32, #tpu.memory_space<vmem>>) attributes {dimension_semantics = [#tpu.dimension_semantics<arbitrary>], iteration_bounds = array<i64: 10>, scalar_prefetch = 0 : i64, scratch_operands = 0 : i64, tpu.core_type = #tpu.core_type<tc>, window_params = [{transform_indices = @transform_0, window_bounds = array<i64: 1, 1000, 128>}, {transform_indices = @transform_1, window_bounds = array<i64: 1, 1000, 128>}, {transform_indices = @transform_2, window_bounds = array<i64: 1000, 128>}, {transform_indices = @transform_3, window_bounds = array<i64: 2, 1000, 1>}, {pipeline_mode = #tpu.pipeline_mode<synchronous>, transform_indices = @transform_4, window_bounds = array<i64: 1, 128>}, {transform_indices = @transform_5, window_bounds = array<i64: 1000, 128>}]} {
    %get3A = arith.constant 0 : index
    %get3A_0 = arith.constant 0 : index
    %get3A_1 = arith.constant 0 : index
    %get3A_2 = vector.load %arg1[%get3A, %get3A_0, %get3A_1] : memref<1x1000x128xf32, #tpu.memory_space<vmem>>, vector<1x1000x128xf32>
    %get3A_3 = vector.shape_cast %get3A_2 : vector<1x1000x128xf32> to vector<1000x128xf32>
    %get3A_4 = arith.constant 0 : index
    %get3A_5 = arith.constant 0 : index
    %get3A_6 = arith.constant 0 : index
    %get3A_7 = vector.load %arg2[%get3A_4, %get3A_5, %get3A_6] : memref<1x1000x128xf32, #tpu.memory_space<vmem>>, vector<1x1000x128xf32>
    %get3A_8 = vector.shape_cast %get3A_7 : vector<1x1000x128xf32> to vector<1000x128xf32>
    %add3A = arith.addf %get3A_3, %get3A_8 : vector<1000x128xf32>
    %get3A_9 = arith.constant 0 : index
    %get3A_10 = arith.constant 0 : index
    %get3A_11 = vector.load %arg3[%get3A_9, %get3A_10] : memref<1000x128xf32, #tpu.memory_space<vmem>>, vector<1000x128xf32>
    %add3A_12 = arith.addf %add3A, %get3A_11 : vector<1000x128xf32>
    %get3A_13 = arith.constant 0 : index
    %get3A_14 = arith.constant 0 : index
    %get3A_15 = arith.constant 0 : index
    %get3A_16 = vector.load %arg4[%get3A_13, %get3A_14, %get3A_15] : memref<2x1000x1xf32, #tpu.memory_space<vmem>>, vector<2x1000x1xf32>
    %reduce_sum3A = arith.constant dense<0.000000e+00> : vector<1000xf32>
    %reduce_sum3A_17 = vector.multi_reduction <add>, %get3A_16, %reduce_sum3A [0, 2] : vector<2x1000x1xf32> to vector<1000xf32>
    %add3A_18 = arith.constant 1.000000e+00 : f32
    %add3A_19 = vector.broadcast %add3A_18 : f32 to vector<1000xf32>
    %add3A_20 = arith.addf %reduce_sum3A_17, %add3A_19 : vector<1000xf32>
    %rsqrt3A = math.rsqrt %add3A_20 : vector<1000xf32>
    %broadcast_in_dim3A = vector.shape_cast %rsqrt3A : vector<1000xf32> to vector<1000x1xf32>
    %mul3A = vector.broadcast %broadcast_in_dim3A : vector<1000x1xf32> to vector<1000x128xf32>
    %mul3A_21 = arith.mulf %add3A_12, %mul3A : vector<1000x128xf32>
    %get3A_22 = arith.constant 0 : index
    %get3A_23 = arith.constant 0 : index
    %get3A_24 = vector.load %arg5[%get3A_22, %get3A_23] : memref<1x128xf32, #tpu.memory_space<vmem>>, vector<1x128xf32>
    %add3A_25 = vector.broadcast %get3A_24 : vector<1x128xf32> to vector<1000x128xf32>
    %add3A_26 = arith.addf %mul3A_21, %add3A_25 : vector<1000x128xf32>
    %reduce_max3A = arith.constant dense<0xFF800000> : vector<1000xf32>
    %reduce_max3A_27 = vector.multi_reduction <maximumf>, %add3A_26, %reduce_max3A [1] : vector<1000x128xf32> to vector<1000xf32>
    %broadcast_in_dim3A_28 = vector.shape_cast %reduce_max3A_27 : vector<1000xf32> to vector<1000x1xf32>
    %sub3A = vector.broadcast %broadcast_in_dim3A_28 : vector<1000x1xf32> to vector<1000x128xf32>
    %sub3A_29 = arith.subf %add3A_26, %sub3A : vector<1000x128xf32>
    %exp3A = math.exp %sub3A_29 : vector<1000x128xf32>
    %reduce_sum3A_30 = arith.constant dense<0.000000e+00> : vector<1000xf32>
    %reduce_sum3A_31 = vector.multi_reduction <add>, %exp3A, %reduce_sum3A_30 [1] : vector<1000x128xf32> to vector<1000xf32>
    %broadcast_in_dim3A_32 = vector.shape_cast %reduce_sum3A_31 : vector<1000xf32> to vector<1000x1xf32>
    %log3A = math.log %broadcast_in_dim3A_32 : vector<1000x1xf32>
    %sub3A_33 = vector.broadcast %broadcast_in_dim3A_28 : vector<1000x1xf32> to vector<1000x128xf32>
    %sub3A_34 = arith.subf %add3A_26, %sub3A_33 : vector<1000x128xf32>
    %sub3A_35 = vector.broadcast %log3A : vector<1000x1xf32> to vector<1000x128xf32>
    %sub3A_36 = arith.subf %sub3A_34, %sub3A_35 : vector<1000x128xf32>
    %swap3A = arith.constant 0 : index
    %swap3A_37 = arith.constant 0 : index
    %swap3A_38 = vector.load %arg6[%swap3A, %swap3A_37] : memref<1000x128xf32, #tpu.memory_space<vmem>>, vector<1000x128xf32>
    tpu.vector_store %arg6[%swap3A, %swap3A_37], %sub3A_36 {strides = array<i32>} : memref<1000x128xf32, #tpu.memory_space<vmem>>, vector<1000x128xf32>,
    return
  }
  func.func @transform_0(%arg0: i32) -> (i32, i32, i32) {
    %c0_i32 = arith.constant 0 : i32
    %c0_i32_0 = arith.constant 0 : i32
    %c0_i32_1 = arith.constant 0 : i32
    return %c0_i32, %arg0, %c0_i32_0 : i32, i32, i32
  }
  func.func @transform_1(%arg0: i32) -> (i32, i32, i32) {
    %c1_i32 = arith.constant 1 : i32
    %c0_i32 = arith.constant 0 : i32
    %c0_i32_0 = arith.constant 0 : i32
    return %c1_i32, %arg0, %c0_i32 : i32, i32, i32
  }
  func.func @transform_2(%arg0: i32) -> (i32, i32) {
    %c0_i32 = arith.constant 0 : i32
    %c0_i32_0 = arith.constant 0 : i32
    return %arg0, %c0_i32 : i32, i32
  }
  func.func @transform_3(%arg0: i32) -> (i32, i32, i32) {
    %c0_i32 = arith.constant 0 : i32
    %c0_i32_0 = arith.constant 0 : i32
    %c0_i32_1 = arith.constant 0 : i32
    return %c0_i32, %arg0, %c0_i32_0 : i32, i32, i32
  }
  func.func @transform_4(%arg0: i32) -> (i32, i32) {
    %c0_i32 = arith.constant 0 : i32
    %c0_i32_0 = arith.constant 0 : i32
    %c0_i32_1 = arith.constant 0 : i32
    return %c0_i32, %c0_i32_0 : i32, i32
  }
  func.func @transform_5(%arg0: i32) -> (i32, i32) {
    %c0_i32 = arith.constant 0 : i32
    %c0_i32_0 = arith.constant 0 : i32
    return %arg0, %c0_i32 : i32, i32
  }
}

</mosaic_0001>

<sc_bundles>
// kernel: kernel.6.cloned.1.call-start
scs
__scs_entry_jumppad:
0x0: {  	(pc) =	sbr.rel $0x88, $3  }
0x1: {  	(tag) =	ssettag $0x0;
	lr =	simm.s32 $0x1  }
0x2: {  	[smem:$0x3F9D] =	sst lr;
	_ =	strace $0xD0000000  }
0x3: {  	_ = 	snop  }
0x4: {  	_ = 	snop  }
0x5: {  	_ = 	snop  }
0x6: {  	_ = 	snop  }
0x7: {  	_ = 	snop  }
__scs_overlays_trampoline_lowered:
0x8: {  	[smem:$0x3FAC] =	sst s0  }
0x9: {  	[smem:$0x3FAD] =	sst s1  }
0xa: {  	[smem:$0x3FAE] =	sst s2  }
0xb: {  	[smem:$0x3FAF] =	sst s3  }
0xc: {  	[smem:$0x3FB0] =	sst s4  }
0xd: {  	[smem:$0x3FB1] =	sst s5  }
0xe: {  	[smem:$0x3FB2] =	sst s6  }
0xf: {  	[smem:$0x3FB3] =	sst s7  }
0x10: {  	[smem:$0x3FB4] =	sst s8  }
0x11: {  	[smem:$0x3FB5] =	sst s9;
	s0 =	simm.s32 @!p0 $0x0  }
0x12: {  	s1 =	sld [smem:$0x3F9B];
	s0 =	simm.s32 @p0 $0x1  }
0x13: {  	[smem:$0x3FB6] =	sst s0;
	s0 =	simm.s32 @!p1 $0x0  }
0x14: {  	s2 =	sld [smem:$0x3F9A];
	s0 =	simm.s32 @p1 $0x1  }
0x15: {  	[smem:$0x3FB7] =	sst s0;
	s0 =	simm.s32 @!p2 $0x0  }
0x16: {  	s3 =	sld [smem:$0x3FDB];
	s0 =	simm.s32 @p2 $0x1  }
0x17: {  	s4 =	simm.s32 $0x1BF5;
	[smem:$0x3FB9] =	sst s0  }
0x18: {  	s0 =	sld [smem:$0x3F9C];
	_ =	swait.ge [sflag:s4], $0x0  }
0x19: {  	s7 =	sld [smem:$0x3F9D]  }
0x1a: {  	s8 =	sadd.s32 $0xFFFFE003, lr  }
0x1b: {  	s9 =	sadd.s32 $0xFFFFFEF7, lr;
	s5 =	simm.s32 $0xFFFFFFFF;
	p2 =	slt.u32 s8, $0xFFFFF086  }
0x1c: {  	p1 =	slt.u32 s9, $0xF7A;
	s5 =	simm.s32 @!p2 $0x0  }
0x1d: {  	s5 =	simm.s32 @p1 $0x1;
	p0 =	seq.s32 s7, s2  }
0x1e: {  	s7 =	smul.u32 @!p0 $0xF7A, s2;
	p2 =	seq.s32 @!p0 s5, $0x0  }
0x1f: {  	s9 =	smul.u32 $0xF7A, s1;
	s8 =	simm.s32 @!p0 $0x1BF5;
	p2 =	por !p2, p0  }
0x20: {  	[sflag:s8] =	ssyncset.s32 @!p0 $0xFFFFF086;
	s6 =	sadd.s32 @!p0 s3, s7;
	s7 =	simm.s32 @!p0 $0x108  }
0x21: {  	s3 =	sadd.s32 s3, s9;
	s6 =	sadd.s32 @!p0 $0x88, s6;
	s7 =	simm.s32 @p2 $0x1082  }
0x22: {  	[simem:s7], [sflag:s8] =	dma.local @!p0 [hbm:s6], $0xF7A  }
0x23: {  	s9 =	sor.u32 $0xD0000000, s2;
	s6 =	simm.s32 $0x108;
	_ =	swait.ge @!p0 [sflag:s8], $0x0  }
0x24: {  	s3 =	sadd.s32 $0x88, s3;
	s6 =	simm.s32 @!p1 $0x1082;
	[sflag:s4] =	ssyncset.s32 $0xFFFFF086  }
0x25: {  	[simem:s6], [sflag:s4] =	dma.local [hbm:s3], $0xF7A  }
0x26: {  	[smem:$0x3F9D] =	sst s1;
	(tag) =	ssettag s2;
	_ =	strace s9  }
0x27: {  	s1 =	sld [smem:$0x3FAD]  }
0x28: {  	s2 =	sld [smem:$0x3FAE]  }
0x29: {  	s4 =	sld [smem:$0x3FB0]  }
0x2a: {  	p0 =	seq.s32 s5, $0x0;
	s5 =	sld [smem:$0x3FB1]  }
0x2b: {  	s6 =	sld [smem:$0x3FB2]  }
0x2c: {  	s7 =	sld [smem:$0x3FB3]  }
0x2d: {  	s3 =	simm.s32 $0x108;
	s8 =	sld [smem:$0x3FB4]  }
0x2e: {  	s3 =	simm.s32 @!p0 $0x1082;
	s9 =	sld [smem:$0x3FB5]  }
0x2f: {  	lr =	sadd.s32 s0, s3;
	s0 =	sld [smem:$0x3FAC]  }
0x30: {  	s3 =	sld [smem:$0x3FAF]  }
0x31: {  	[smem:$0x3FB8] =	sst s10  }
0x32: {  	s10 =	sld [smem:$0x3FB6];
	_ =	sdelay $0x3  }
0x33: {  	p0 =	seq.s32 s10, $0x1;
	s10 =	sld [smem:$0x3FB8];
	_ =	sdelay $0x3  }
0x34: {  	[smem:$0x3FB8] =	sst s10  }
0x35: {  	s10 =	sld [smem:$0x3FB7];
	_ =	sdelay $0x3  }
0x36: {  	p1 =	seq.s32 s10, $0x1;
	s10 =	sld [smem:$0x3FB8];
	_ =	sdelay $0x3  }
0x37: {  	[smem:$0x3FB8] =	sst s10  }
0x38: {  	s10 =	sld [smem:$0x3FB9]  }
0x39: {  	_ = 	snop;
	(pc) =	sbr.ind lr, $3  }
0x3a: {  	_ = 	snop  }
0x3b: {  	_ = 	snop  }
0x3c: {  	p2 =	seq.s32 s10, $0x1;
	s10 =	sld [smem:$0x3FB8]  }
0x3d: {  	_ =	shalt  }
0x3e: {  	_ =	shalt  }
0x3f: {  	_ =	shalt  }
0x40: {  	_ =	shalt  }
0x41: {  	_ =	shalt  }
0x42: {  	_ =	shalt  }
0x43: {  	_ =	shalt  }
0x44: {  	_ =	shalt  }
0x45: {  	_ =	shalt  }
0x46: {  	_ =	shalt  }
0x47: {  	_ =	shalt  }
0x48: {  	_ =	shalt  }
0x49: {  	_ =	shalt  }
0x4a: {  	_ =	shalt  }
0x4b: {  	_ =	shalt  }
0x4c: {  	_ =	shalt  }
0x4d: {  	_ =	shalt  }
0x4e: {  	_ =	shalt  }
0x4f: {  	_ =	shalt  }
0x50: {  	_ =	shalt  }
0x51: {  	_ =	shalt  }
0x52: {  	_ =	shalt  }
0x53: {  	_ =	shalt  }
0x54: {  	_ =	shalt  }
0x55: {  	_ =	shalt  }
0x56: {  	_ =	shalt  }
0x57: {  	_ =	shalt  }
0x58: {  	_ =	shalt  }
0x59: {  	_ =	shalt  }
0x5a: {  	_ =	shalt  }
0x5b: {  	_ =	shalt  }
0x5c: {  	_ =	shalt  }
0x5d: {  	_ =	shalt  }
0x5e: {  	_ =	shalt  }
0x5f: {  	_ =	shalt  }
0x60: {  	_ =	shalt  }
0x61: {  	_ =	shalt  }
0x62: {  	_ =	shalt  }
0x63: {  	_ =	shalt  }
0x64: {  	_ =	shalt  }
0x65: {  	_ =	shalt  }
0x66: {  	_ =	shalt  }
0x67: {  	_ =	shalt  }
0x68: {  	_ =	shalt  }
0x69: {  	_ =	shalt  }
0x6a: {  	_ =	shalt  }
0x6b: {  	_ =	shalt  }
0x6c: {  	_ =	shalt  }
0x6d: {  	_ =	shalt  }
0x6e: {  	_ =	shalt  }
0x6f: {  	_ =	shalt  }
0x70: {  	_ =	shalt  }
0x71: {  	_ =	shalt  }
0x72: {  	_ =	shalt  }
0x73: {  	_ =	shalt  }
0x74: {  	_ =	shalt  }
0x75: {  	_ =	shalt  }
0x76: {  	_ =	shalt  }
0x77: {  	_ =	shalt  }
0x78: {  	_ =	shalt  }
0x79: {  	_ =	shalt  }
0x7a: {  	_ =	shalt  }
0x7b: {  	_ =	shalt  }
0x7c: {  	_ =	shalt  }
0x7d: {  	_ =	shalt  }
0x7e: {  	_ =	shalt  }
0x7f: {  	_ =	shalt  }
0x80: {  	_ =	shalt  }
0x81: {  	_ =	shalt  }
0x82: {  	_ =	shalt  }
0x83: {  	_ =	shalt  }
0x84: {  	_ =	shalt  }
0x85: {  	_ =	shalt  }
0x86: {  	_ =	shalt  }
0x87: {  	_ =	shalt  }
.Lfunc_end0:
.L_simem_size_0:
called_computation_lowered:
.L_overlay_start_0:
0x88: {  	s2 =	sld [smem:$0x3FD9]  }
0x89: {  	s3 =	sld [smem:$0x3FFE];
	_ =	sdelay $0x1  }
0x8a: {  	s1 =	srdreg.scid  }
0x8b: {  	s0 =	sand.u32 $0x1, s1  }
0x8c: {  	s17 =	sshll.u32 s0, $0xA;
	s2 =	sadd.s32 s3, s2  }
0x8d: {  	s2 =	sadd.s32 s2, s17  }
0x8e: {  	[smem:$0x3FC4] =	sst s2  }
0x8f: {  	_ = 	snop  }
0x90: {  	s2 =	sld [smem:$0x3FD0];
	(tm) =	ssettm $0x1  }
0x91: {  	s18 =	sld [smem:$0x3FFB];
	_ =	sdelay $0x3  }
0x92: {  	_ =	strace s18  }
0x93: {  	s3 =	sld [smem:$0x3FFC];
	_ =	sdelay $0x3  }
0x94: {  	_ =	strace s3  }
0x95: {  	s3 =	sld [smem:$0x3FFD];
	_ =	sdelay $0x3  }
0x96: {  	_ =	strace s3  }
0x97: {  	_ =	strace $0x8FFFFFFF  }
0x98: {  	s19 =	sld [smem:$0x3FDB];
	_ =	sdelay $0x1  }
0x99: {  	s4 =	simm.s32 $_scs_section_size  }
0x9a: {  	s5 =	simm.s32 $_size__tile_overlayer_lowered;
	s6 =	simm.s32 $_tile_overlayer_lowered  }
0x9b: {  	s22 =	simm.s32 $0x1BFF;
	s21 =	sshll.u32 s6, $0x1;
	s3 =	sadd.s32 s4, s19  }
0x9c: {  	s7 =	simm.s32 $0x0;
	s20 =	sshll.u32 s5, $0x1;
	s5 =	sadd.s32 s21, s3  }
0x9d: {  	[timem:s7], [sflag:s22] =	dma.local [hbm:s5], s20  }
0x9e: {  	_ =	swait.ge [sflag:s22], s20  }
0x9f: {  	s4 =	ssub.s32 $0x0, s20;
	[sflag:s22] =	ssyncset.done $0x0  }
0xa0: {  	[sflag:s22] =	ssyncadd.s32 s4;
	_ =	sdelay $0x1  }
0xa1: {  	s23 =	simm.s32 $0x1B8B  }
0xa2: {  	_ =	swait.ge [sflag:s23], $0x1  }
0xa3: {  	[sflag:s23] =	ssyncset.done $0x0  }
0xa4: {  	s25 =	simm.s32 $0x1B8E;
	s24 =	sld [smem:$0x3FFE];
	[sflag:s23] =	ssyncadd.s32 $0xFFFFFFFF  }
0xa5: {  	s26 =	simm.s32 $execute0_lowered;
	[smem:$0x3FD2] =	sst s25  }
0xa6: {  	s5 =	sshll.u32 s26, $0x1;
	_ =	strace $0x80000046;
	[dreg:$0x1] =	wrdreg $0xFFFFFFFF  }
0xa7: {  	s28 =	simm.s32 $_size_execute0_lowered;
	s3 =	sadd.s32 s3, s5;
	[dreg:$0x0] =	wrdreg $0x0  }
0xa8: {  	s5 =	sshll.u32 s28, $0x1;
	[dreg:$0x2] =	wrdreg s3  }
0xa9: {  	[dreg:$0x3] =	wrdreg s5  }
0xaa: {  	[dreg:$0x4] =	wrdreg $0xC0  }
0xab: {  	_ =	task [dreg:s7], $0x5FFFF  }
0xac: {  	[dreg:$0x1] =	wrdreg $0xFFFFFFFF  }
0xad: {  	[dreg:$0x0] =	wrdreg $0x60  }
0xae: {  	[dreg:$0x2] =	wrdreg s24  }
0xaf: {  	[dreg:$0x3] =	wrdreg s2  }
0xb0: {  	[dreg:$0x4] =	wrdreg $0x2B000  }
0xb1: {  	[dreg:$0x5] =	wrdreg $0x9  }
0xb2: {  	_ =	task.clear_ibuf [dreg:s7], $0x6FFFF;
	_ =	strace $0x90000046  }
0xb3: {  	s29 =	simm.s32 $0x9;
	_ =	strace $0x80000048  }
0xb4: {  	_ =	swait.ge [sflag:s29], $0x1  }
0xb5: {  	[sflag:s29] =	ssyncadd.s32 $0xFFFFFFFF  }
0xb6: {  	_ =	strace $0x90000048  }
0xb7: {  	_ =	sfence  }
0xb8: {  	s30 =	sld [smem:$0x0];
	_ =	sdelay $0x2  }
0xb9: {  	s31 =	sshll.u32 s1, $0xD;
	s1 =	sshrl.u32 s1, $0x2  }
0xba: {  	s3 =	sand.u32 $0x4000, s31;
	s1 =	sadd.s32 s1, s30  }
0xbb: {  	s0 =	sor.u32 s3, s0;
	s1 =	sshll.u32 s1, $0x11  }
0xbc: {  	s0 =	sor.u32 s1, s0  }
0xbd: {  	s0 =	sadd.s32 $0x8F2B, s0  }
0xbe: {  	[sflag:s0] =	ssyncadd.remote.s32 $0x1  }
0xbf: {  	_ =	sfence.sel $0xFFFF  }
0xc0: {  	[dreg:$0x0] =	wrdreg $0xFFFFFFFF;
	(pc) =	sbr.abs _section_cstart, $3  }
0xc1: {  	[dreg:$0x1] =	wrdreg $0xFFFFFFFF  }
0xc2: {  	_ =	task.clear_ibuf [dreg:s7], $0x2FFFF;
	_ =	strace $0x9FFFFFFF  }
0xc3: {  	(tm) =	ssettm $0x7FFFFFFF  }
tec
execute0_lowered:
.L_overlay_start_1:
0x0: {  	(tag) =	ssettag $0x1  }
0x1: {  	s4 =	rddreg [dreg:$0x0];
	s1 =	srdreg.scid  }
0x2: {  	s0 =	stileid.u32;
	s6 =	rddreg [dreg:$0x1]  }
0x3: {  	s2 =	rddreg [dreg:$0x2];
	s3 =	simm.s32 $0x0;
	s11 =	simm.s32 $0x2800  }
0x4: {  	s12 =	simm.s32 $0x100;
	s13 =	simm.s32 $0x180;
	s14 =	simm.s32 $0x1  }
0x5: {  	s15 =	simm.s32 $0x2;
	s16 =	simm.s32 $0x3;
	s17 =	simm.s32 $0x4  }
0x6: {  	s20 =	simm.s32 $0x20;
	s21 =	simm.s32 $0x10;
	s22 =	simm.s32 $0x0  }
0x7: {  	s5 =	sand.u32 $0x1, s1;
	s1 =	rddreg [dreg:$0x3];
	s8 =	smul.u32 $0xA00, s0  }
0x8: {  	s28 =	sshll.u32 s0, $0x1;
	[smem:$0x7FF] =	sst s3;
	s10 =	smul.u32 $0x500, s0  }
0x9: {  	s18 =	sshll.u32 s0, $0x6;
	s7 =	sor.u32 s5, s28;
	_ =	strace $0x80000047  }
0xa: {  	s9 =	ssub.s32 $0x2, s5;
	s5 =	sshll.u32 s5, $0x7;
	s18 =	sor.u32 $0x1C05, s18  }
0xb: {  	s7 =	smul.u32 $0x500, s7;
	s29 =	sshrl.u32 s9, $0x1;
	s8 =	sshrl.u32 s8, $0x2  }
0xc: {  	s30 =	sor.u32 s5, s10;
	s10 =	simm.s32 $0x80;
	s5 =	sadd.s32 s8, s2  }
0xd: {  	s31 =	sshrl.u32 s30, $0x3;
	s8 =	simm.s32 $0x5;
	s4 =	sadd.s32 s7, s4  }
0xe: {  	s7 =	ssub.s32 s9, s29;
	s6 =	sadd.s32 s6, s31;
	s9 =	simm.s32 $0x2880  }
0xf: {  	v0 =	vimm.f32 $1.000000000e+00;
	v1 =	vimm.f32 $0.0e+00;
	s19 =	sshrl.u32 s5, $0x3;
	s4 =	sadd.s32 $0xBC00, s4;
	s7 =	smax.u32 s7, $0x1  }
.LBB2_1:
0x10: {  	[tilespmem:$0x2800] =	vst v0  }
0x11: {  	[tilespmem:$0x2810] =	vst v0  }
0x12: {  	[tilespmem:$0x2820] =	vst v0  }
0x13: {  	[tilespmem:$0x2830] =	vst v0  }
0x14: {  	[tilespmem:$0x2840] =	vst v0  }
0x15: {  	[tilespmem:$0x2850] =	vst v0  }
0x16: {  	[tilespmem:$0x2860] =	vst v0  }
0x17: {  	[tilespmem:$0x2870] =	vst v0  }
0x18: {  	[tilespmem:$0x2880] =	vst v1  }
0x19: {  	[tilespmem:$0x2890] =	vst v1  }
0x1a: {  	[tilespmem:$0x28A0] =	vst v1  }
0x1b: {  	[tilespmem:$0x28B0] =	vst v1  }
0x1c: {  	[tilespmem:$0x28C0] =	vst v1  }
0x1d: {  	[tilespmem:$0x28D0] =	vst v1  }
0x1e: {  	[tilespmem:$0x28E0] =	vst v1  }
0x1f: {  	[tilespmem:$0x28F0] =	vst v1  }
0x20: {  	[tilespmem:$0x2900] =	vst v1  }
0x21: {  	[tilespmem:$0x2910] =	vst v1  }
0x22: {  	[tilespmem:$0x2920] =	vst v1  }
0x23: {  	[tilespmem:$0x2930] =	vst v1  }
0x24: {  	[tilespmem:$0x2940] =	vst v1  }
0x25: {  	[tilespmem:$0x2950] =	vst v1  }
0x26: {  	[tilespmem:$0x2960] =	vst v1  }
0x27: {  	[tilespmem:$0x2970] =	vst v1  }
0x28: {  	[tilespmem:$0x2980] =	vst v1  }
0x29: {  	[tilespmem:$0x2990] =	vst v1  }
0x2a: {  	[tilespmem:$0x29A0] =	vst v1  }
0x2b: {  	[tilespmem:$0x29B0] =	vst v1  }
0x2c: {  	[tilespmem:$0x29C0] =	vst v1  }
0x2d: {  	[tilespmem:$0x29D0] =	vst v1  }
0x2e: {  	[tilespmem:$0x29E0] =	vst v1  }
0x2f: {  	[tilespmem:$0x29F0] =	vst v1  }
0x30: {  	[tilespmem:$0x2A00] =	vst v1  }
0x31: {  	[tilespmem:$0x2A10] =	vst v1  }
0x32: {  	[tilespmem:$0x2A20] =	vst v1  }
0x33: {  	[tilespmem:$0x2A30] =	vst v1  }
0x34: {  	[tilespmem:$0x2A40] =	vst v1  }
0x35: {  	[tilespmem:$0x2A50] =	vst v1  }
0x36: {  	[tilespmem:$0x2A60] =	vst v1  }
0x37: {  	[tilespmem:$0x2A70] =	vst v1  }
0x38: {  	[tilespmem:$0x2A80] =	vst v1  }
0x39: {  	[tilespmem:$0x2A90] =	vst v1  }
0x3a: {  	[tilespmem:$0x2AA0] =	vst v1  }
0x3b: {  	[tilespmem:$0x2AB0] =	vst v1  }
0x3c: {  	[tilespmem:$0x2AC0] =	vst v1  }
0x3d: {  	[tilespmem:$0x2AD0] =	vst v1  }
0x3e: {  	[tilespmem:$0x2AE0] =	vst v1  }
0x3f: {  	[tilespmem:$0x2AF0] =	vst v1  }
0x40: {  	[tilespmem:s3], [sflag:$0x5] =	stream.linear.gather [hbm4b:s4+s3], $0x2800, $0x38;
	[tilespmem:$0x2D80] =	vst v63  }
0x41: {  	_ =	swait.ge [sflag:s8], $0x2800  }
0x42: {  	[sflag:s8] =	ssyncset.done $0x0  }
0x43: {  	[sflag:s8] =	ssyncadd.s32 $0xFFFFD800  }
0x44: {  	[spmem:s5] =	stream.linear.scatter [tilespmem:s9], [sflag:$0x5], $0x280, $0x38;
	[tilespmem:$0x2D80] =	vst v63  }
0x45: {  	_ =	swait.ge [sflag:s8], $0x280  }
0x46: {  	[sflag:s8] =	ssyncset.done $0x0  }
0x47: {  	[sflag:s8] =	ssyncadd.s32 $0xFFFFFD80  }
0x48: {  	[bflag:$0x0] =	sbarrier.arrive $0xFFFF  }
0x49: {  	[spmem:s2] =	stream.indirect.scatter.add.f32 [tilespmem:s11], [sflag:$0x1], $0x1, s3, s10, $0xb8;
	[tilespmem:$0x2D80] =	vst v63  }
0x4a: {  	_ = 	snop  }
0x4b: {  	[spmem:s2] =	stream.indirect.scatter.add.f32 [tilespmem:s11], [sflag:$0x2], $0x1, s10, s10, $0xb8;
	[tilespmem:$0x2D80] =	vst v63  }
0x4c: {  	_ = 	snop  }
0x4d: {  	[spmem:s2] =	stream.indirect.scatter.add.f32 [tilespmem:s11], [sflag:$0x3], $0x1, s12, s10, $0xb8;
	[tilespmem:$0x2D80] =	vst v63  }
0x4e: {  	_ = 	snop  }
0x4f: {  	[spmem:s2] =	stream.indirect.scatter.add.f32 [tilespmem:s11], [sflag:$0x4], $0x1, s13, s10, $0xb8;
	[tilespmem:$0x2D80] =	vst v63  }
0x50: {  	_ =	swait.ge [sflag:s14], $0x80  }
0x51: {  	[sflag:s14] =	ssyncset.done $0x0  }
0x52: {  	s23 =	simm.s32 $0x200;
	[sflag:s14] =	ssyncadd.s32 $0xFFFFFF80  }
0x53: {  	[spmem:s2] =	stream.indirect.scatter.add.f32 [tilespmem:s11], [sflag:$0x1], $0x1, s23, s10, $0xb8;
	[tilespmem:$0x2D80] =	vst v63  }
0x54: {  	_ =	swait.ge [sflag:s15], $0x80  }
0x55: {  	[sflag:s15] =	ssyncset.done $0x0  }
0x56: {  	s30 =	simm.s32 $0x280;
	[sflag:s15] =	ssyncadd.s32 $0xFFFFFF80  }
0x57: {  	[spmem:s2] =	stream.indirect.scatter.add.f32 [tilespmem:s11], [sflag:$0x2], $0x1, s30, s10, $0xb8;
	[tilespmem:$0x2D80] =	vst v63  }
0x58: {  	_ =	swait.ge [sflag:s16], $0x80  }
0x59: {  	[sflag:s16] =	ssyncset.done $0x0  }
0x5a: {  	s31 =	simm.s32 $0x300;
	[sflag:s16] =	ssyncadd.s32 $0xFFFFFF80  }
0x5b: {  	[spmem:s2] =	stream.indirect.scatter.add.f32 [tilespmem:s11], [sflag:$0x3], $0x1, s31, s10, $0xb8;
	[tilespmem:$0x2D80] =	vst v63  }
0x5c: {  	_ =	swait.ge [sflag:s17], $0x80  }
0x5d: {  	[sflag:s17] =	ssyncset.done $0x0  }
0x5e: {  	s24 =	simm.s32 $0x380;
	s23 =	simm.s32 $0xFFFF7000;
	[sflag:s17] =	ssyncadd.s32 $0xFFFFFF80  }
.LBB2_2:
0x5f: {  	[spmem:s2] =	stream.indirect.scatter.add.f32 [tilespmem:s11], [sflag:$0x4], $0x1, s24, s10, $0xb8;
	[tilespmem:$0x2D80] =	vst v63  }
0x60: {  	s24 =	smov.u32 s23  }
0x61: {  	p0 =	sne.s32 s23, $0xFFFFF800;
	s23 =	sadd.s32 $0x800, s23;
	_ =	swait.ge [sflag:s14], $0x80  }
0x62: {  	s24 =	sshra.s32 s24, $0x2;
	[sflag:s14] =	ssyncset.done $0x0  }
0x63: {  	s25 =	sadd.s32 $0x2800, s24;
	[sflag:s14] =	ssyncadd.s32 $0xFFFFFF80  }
0x64: {  	[spmem:s2] =	stream.indirect.scatter.add.f32 [tilespmem:s11], [sflag:$0x1], $0x1, s25, s10, $0xb8;
	[tilespmem:$0x2D80] =	vst v63  }
0x65: {  	_ =	swait.ge [sflag:s15], $0x80  }
0x66: {  	[sflag:s15] =	ssyncset.done $0x0  }
0x67: {  	s25 =	sadd.s32 $0x2880, s24;
	[sflag:s15] =	ssyncadd.s32 $0xFFFFFF80  }
0x68: {  	[spmem:s2] =	stream.indirect.scatter.add.f32 [tilespmem:s11], [sflag:$0x2], $0x1, s25, s10, $0xb8;
	[tilespmem:$0x2D80] =	vst v63  }
0x69: {  	_ =	swait.ge [sflag:s16], $0x80  }
0x6a: {  	[sflag:s16] =	ssyncset.done $0x0  }
.Ltmp0:
0x6b: {  	s25 =	sadd.s32 $0x2900, s24;
	[sflag:s16] =	ssyncadd.s32 $0xFFFFFF80;
	(pc) =	sbr.rel @p0 .LBB2_2-.Ltmp0, $4  }
0x6c: {  	[spmem:s2] =	stream.indirect.scatter.add.f32 [tilespmem:s11], [sflag:$0x3], $0x1, s25, s10, $0xb8;
	[tilespmem:$0x2D80] =	vst v63  }
0x6d: {  	_ =	swait.ge [sflag:s17], $0x80  }
0x6e: {  	[sflag:s17] =	ssyncset.done $0x0  }
0x6f: {  	s24 =	sadd.s32 $0x2980, s24;
	[sflag:s17] =	ssyncadd.s32 $0xFFFFFF80  }
0x70: {  	[spmem:s2] =	stream.indirect.scatter.add.f32 [tilespmem:s11], [sflag:$0x4], $0x1, s24, s10, $0xb8;
	[tilespmem:$0x2D80] =	vst v63  }
0x71: {  	_ =	swait.ge [sflag:s14], $0x80  }
0x72: {  	[sflag:s14] =	ssyncset.done $0x0  }
0x73: {  	[sflag:s14] =	ssyncadd.s32 $0xFFFFFF80  }
0x74: {  	_ =	swait.ge [sflag:s15], $0x80  }
0x75: {  	[sflag:s15] =	ssyncset.done $0x0  }
0x76: {  	[sflag:s15] =	ssyncadd.s32 $0xFFFFFF80  }
0x77: {  	_ =	swait.ge [sflag:s16], $0x80  }
0x78: {  	[sflag:s16] =	ssyncset.done $0x0  }
0x79: {  	[sflag:s16] =	ssyncadd.s32 $0xFFFFFF80  }
0x7a: {  	_ =	swait.ge [sflag:s17], $0x80  }
0x7b: {  	s22 =	sadd.s32 $0x1, s22;
	[sflag:s17] =	ssyncset.done $0x0  }
0x7c: {  	p0 =	sne.s32 s22, s7;
	[sflag:s17] =	ssyncadd.s32 $0xFFFFFF80  }
.Ltmp1:
0x7d: {  	[bflag:$0x0] =	sbarrier.arrive $0xFFFF;
	(pc) =	sbr.rel @p0 .LBB2_1-.Ltmp1, $4  }
0x7e: {  	[hbm:s6@s20], [sflag:s18] =	dma.strided [spmem:s19@s21], $0x50, s14, $0x10   }
0x7f: {  	_ =	swait.ge [sflag:s8], $0x50  }
0x80: {  	[sflag:s8] =	ssyncset.done $0x0  }
0x81: {  	[sflag:s8] =	ssyncadd.s32 $0xFFFFFFB0  }
0x82: {  	_ =	sfence.sel $0x180000  }
0x83: {  	[bflag:$0x0] =	sbarrier.arrive $0xFFFF  }
0x84: {  	p0 =	sne.s32 s0, $0x0;
	_ =	strace $0x90000047  }
0x85: {  	s0 =	sadd.s32 @!p0 $0x100000, s1;
	[bflag:$0x2] =	sbarrier.arrive $0xFFFF  }
0x86: {  	[sflag:s0] =	ssyncadd.tile.s32 @!p0 $0x1;
	_ =	shalt  }
.Lfunc_end2:
_tile_overlayer_lowered:
.L_overlay_start_2:
0x87: {  	(tag) =	ssettag $0x2  }
0x88: {  	s0 =	rddreg [dreg:$0x0];
	s2 =	stileid.u32  }
0x89: {  	s1 =	rddreg [dreg:$0x1];
	p0 =	sne.s32 s2, $0x0  }
0x8a: {  	s3 =	rddreg [dreg:$0x2];
	[bflag:$0x3] =	sbarrier.arrive $0xFFFF;
	s2 =	simm.s32 @!p0 $0x1C05  }
0x8b: {  	[timem:s3], [sflag:s2] =	dma.local @!p0 [hbm:s0], s1  }
0x8c: {  	s0 =	simm.s32 @!p0 $0x5  }
0x8d: {  	_ =	swait.ge @!p0 [sflag:s0], s1  }
0x8e: {  	s1 =	ssub.s32 @!p0 $0x0, s1;
	[sflag:s0] =	ssyncset.done @!p0 $0x0  }
0x8f: {  	[sflag:s0] =	ssyncadd.s32 @!p0 s1  }
0x90: {  	[bflag:$0x3] =	sbarrier.arrive $0xFFFF  }
0x91: {  	_ =	shalt  }

// kernel: kernel.9.cloned.1.call-start
scs
__scs_entry_jumppad:
0x0: {  	(pc) =	sbr.rel $0x88, $3  }
0x1: {  	(tag) =	ssettag $0x0;
	lr =	simm.s32 $0x1  }
0x2: {  	[smem:$0x3F9D] =	sst lr;
	_ =	strace $0xD0000000  }
0x3: {  	_ = 	snop  }
0x4: {  	_ = 	snop  }
0x5: {  	_ = 	snop  }
0x6: {  	_ = 	snop  }
0x7: {  	_ = 	snop  }
__scs_overlays_trampoline_lowered:
0x8: {  	[smem:$0x3FAC] =	sst s0  }
0x9: {  	[smem:$0x3FAD] =	sst s1  }
0xa: {  	[smem:$0x3FAE] =	sst s2  }
0xb: {  	[smem:$0x3FAF] =	sst s3  }
0xc: {  	[smem:$0x3FB0] =	sst s4  }
0xd: {  	[smem:$0x3FB1] =	sst s5  }
0xe: {  	[smem:$0x3FB2] =	sst s6  }
0xf: {  	[smem:$0x3FB3] =	sst s7  }
0x10: {  	[smem:$0x3FB4] =	sst s8  }
0x11: {  	[smem:$0x3FB5] =	sst s9;
	s0 =	simm.s32 @!p0 $0x0  }
0x12: {  	s1 =	sld [smem:$0x3F9B];
	s0 =	simm.s32 @p0 $0x1  }
0x13: {  	[smem:$0x3FB6] =	sst s0;
	s0 =	simm.s32 @!p1 $0x0  }
0x14: {  	s2 =	sld [smem:$0x3F9A];
	s0 =	simm.s32 @p1 $0x1  }
0x15: {  	[smem:$0x3FB7] =	sst s0;
	s0 =	simm.s32 @!p2 $0x0  }
0x16: {  	s3 =	sld [smem:$0x3FDB];
	s0 =	simm.s32 @p2 $0x1  }
0x17: {  	s4 =	simm.s32 $0x1BF5;
	[smem:$0x3FB9] =	sst s0  }
0x18: {  	s0 =	sld [smem:$0x3F9C];
	_ =	swait.ge [sflag:s4], $0x0  }
0x19: {  	s7 =	sld [smem:$0x3F9D]  }
0x1a: {  	s8 =	sadd.s32 $0xFFFFE003, lr  }
0x1b: {  	s9 =	sadd.s32 $0xFFFFFEF7, lr;
	s5 =	simm.s32 $0xFFFFFFFF;
	p2 =	slt.u32 s8, $0xFFFFF086  }
0x1c: {  	p1 =	slt.u32 s9, $0xF7A;
	s5 =	simm.s32 @!p2 $0x0  }
0x1d: {  	s5 =	simm.s32 @p1 $0x1;
	p0 =	seq.s32 s7, s2  }
0x1e: {  	s7 =	smul.u32 @!p0 $0xF7A, s2;
	p2 =	seq.s32 @!p0 s5, $0x0  }
0x1f: {  	s9 =	smul.u32 $0xF7A, s1;
	s8 =	simm.s32 @!p0 $0x1BF5;
	p2 =	por !p2, p0  }
0x20: {  	[sflag:s8] =	ssyncset.s32 @!p0 $0xFFFFF086;
	s6 =	sadd.s32 @!p0 s3, s7;
	s7 =	simm.s32 @!p0 $0x108  }
0x21: {  	s3 =	sadd.s32 s3, s9;
	s6 =	sadd.s32 @!p0 $0x88, s6;
	s7 =	simm.s32 @p2 $0x1082  }
0x22: {  	[simem:s7], [sflag:s8] =	dma.local @!p0 [hbm:s6], $0xF7A  }
0x23: {  	s9 =	sor.u32 $0xD0000000, s2;
	s6 =	simm.s32 $0x108;
	_ =	swait.ge @!p0 [sflag:s8], $0x0  }
0x24: {  	s3 =	sadd.s32 $0x88, s3;
	s6 =	simm.s32 @!p1 $0x1082;
	[sflag:s4] =	ssyncset.s32 $0xFFFFF086  }
0x25: {  	[simem:s6], [sflag:s4] =	dma.local [hbm:s3], $0xF7A  }
0x26: {  	[smem:$0x3F9D] =	sst s1;
	(tag) =	ssettag s2;
	_ =	strace s9  }
0x27: {  	s1 =	sld [smem:$0x3FAD]  }
0x28: {  	s2 =	sld [smem:$0x3FAE]  }
0x29: {  	s4 =	sld [smem:$0x3FB0]  }
0x2a: {  	p0 =	seq.s32 s5, $0x0;
	s5 =	sld [smem:$0x3FB1]  }
0x2b: {  	s6 =	sld [smem:$0x3FB2]  }
0x2c: {  	s7 =	sld [smem:$0x3FB3]  }
0x2d: {  	s3 =	simm.s32 $0x108;
	s8 =	sld [smem:$0x3FB4]  }
0x2e: {  	s3 =	simm.s32 @!p0 $0x1082;
	s9 =	sld [smem:$0x3FB5]  }
0x2f: {  	lr =	sadd.s32 s0, s3;
	s0 =	sld [smem:$0x3FAC]  }
0x30: {  	s3 =	sld [smem:$0x3FAF]  }
0x31: {  	[smem:$0x3FB8] =	sst s10  }
0x32: {  	s10 =	sld [smem:$0x3FB6];
	_ =	sdelay $0x3  }
0x33: {  	p0 =	seq.s32 s10, $0x1;
	s10 =	sld [smem:$0x3FB8];
	_ =	sdelay $0x3  }
0x34: {  	[smem:$0x3FB8] =	sst s10  }
0x35: {  	s10 =	sld [smem:$0x3FB7];
	_ =	sdelay $0x3  }
0x36: {  	p1 =	seq.s32 s10, $0x1;
	s10 =	sld [smem:$0x3FB8];
	_ =	sdelay $0x3  }
0x37: {  	[smem:$0x3FB8] =	sst s10  }
0x38: {  	s10 =	sld [smem:$0x3FB9]  }
0x39: {  	_ = 	snop;
	(pc) =	sbr.ind lr, $3  }
0x3a: {  	_ = 	snop  }
0x3b: {  	_ = 	snop  }
0x3c: {  	p2 =	seq.s32 s10, $0x1;
	s10 =	sld [smem:$0x3FB8]  }
0x3d: {  	_ =	shalt  }
0x3e: {  	_ =	shalt  }
0x3f: {  	_ =	shalt  }
0x40: {  	_ =	shalt  }
0x41: {  	_ =	shalt  }
0x42: {  	_ =	shalt  }
0x43: {  	_ =	shalt  }
0x44: {  	_ =	shalt  }
0x45: {  	_ =	shalt  }
0x46: {  	_ =	shalt  }
0x47: {  	_ =	shalt  }
0x48: {  	_ =	shalt  }
0x49: {  	_ =	shalt  }
0x4a: {  	_ =	shalt  }
0x4b: {  	_ =	shalt  }
0x4c: {  	_ =	shalt  }
0x4d: {  	_ =	shalt  }
0x4e: {  	_ =	shalt  }
0x4f: {  	_ =	shalt  }
0x50: {  	_ =	shalt  }
0x51: {  	_ =	shalt  }
0x52: {  	_ =	shalt  }
0x53: {  	_ =	shalt  }
0x54: {  	_ =	shalt  }
0x55: {  	_ =	shalt  }
0x56: {  	_ =	shalt  }
0x57: {  	_ =	shalt  }
0x58: {  	_ =	shalt  }
0x59: {  	_ =	shalt  }
0x5a: {  	_ =	shalt  }
0x5b: {  	_ =	shalt  }
0x5c: {  	_ =	shalt  }
0x5d: {  	_ =	shalt  }
0x5e: {  	_ =	shalt  }
0x5f: {  	_ =	shalt  }
0x60: {  	_ =	shalt  }
0x61: {  	_ =	shalt  }
0x62: {  	_ =	shalt  }
0x63: {  	_ =	shalt  }
0x64: {  	_ =	shalt  }
0x65: {  	_ =	shalt  }
0x66: {  	_ =	shalt  }
0x67: {  	_ =	shalt  }
0x68: {  	_ =	shalt  }
0x69: {  	_ =	shalt  }
0x6a: {  	_ =	shalt  }
0x6b: {  	_ =	shalt  }
0x6c: {  	_ =	shalt  }
0x6d: {  	_ =	shalt  }
0x6e: {  	_ =	shalt  }
0x6f: {  	_ =	shalt  }
0x70: {  	_ =	shalt  }
0x71: {  	_ =	shalt  }
0x72: {  	_ =	shalt  }
0x73: {  	_ =	shalt  }
0x74: {  	_ =	shalt  }
0x75: {  	_ =	shalt  }
0x76: {  	_ =	shalt  }
0x77: {  	_ =	shalt  }
0x78: {  	_ =	shalt  }
0x79: {  	_ =	shalt  }
0x7a: {  	_ =	shalt  }
0x7b: {  	_ =	shalt  }
0x7c: {  	_ =	shalt  }
0x7d: {  	_ =	shalt  }
0x7e: {  	_ =	shalt  }
0x7f: {  	_ =	shalt  }
0x80: {  	_ =	shalt  }
0x81: {  	_ =	shalt  }
0x82: {  	_ =	shalt  }
0x83: {  	_ =	shalt  }
0x84: {  	_ =	shalt  }
0x85: {  	_ =	shalt  }
0x86: {  	_ =	shalt  }
0x87: {  	_ =	shalt  }
.Lfunc_end0:
.L_simem_size_0:
called_computation.1_lowered:
.L_overlay_start_0:
0x88: {  	s2 =	sld [smem:$0x3FD9]  }
0x89: {  	s3 =	sld [smem:$0x3FFE];
	_ =	sdelay $0x1  }
0x8a: {  	s1 =	srdreg.scid  }
0x8b: {  	s0 =	sand.u32 $0x1, s1  }
0x8c: {  	s17 =	sshll.u32 s0, $0xA;
	s2 =	sadd.s32 s3, s2  }
0x8d: {  	s2 =	sadd.s32 s2, s17  }
0x8e: {  	[smem:$0x3FC4] =	sst s2  }
0x8f: {  	_ = 	snop  }
0x90: {  	s2 =	sld [smem:$0x3FD0];
	(tm) =	ssettm $0x1  }
0x91: {  	s18 =	sld [smem:$0x3FFB];
	_ =	sdelay $0x3  }
0x92: {  	_ =	strace s18  }
0x93: {  	s3 =	sld [smem:$0x3FFC];
	_ =	sdelay $0x3  }
0x94: {  	_ =	strace s3  }
0x95: {  	s3 =	sld [smem:$0x3FFD];
	_ =	sdelay $0x3  }
0x96: {  	_ =	strace s3  }
0x97: {  	_ =	strace $0x8FFFFFFF  }
0x98: {  	s19 =	sld [smem:$0x3FDB];
	_ =	sdelay $0x1  }
0x99: {  	s4 =	simm.s32 $_scs_section_size  }
0x9a: {  	s5 =	simm.s32 $_size__tile_overlayer_lowered;
	s6 =	simm.s32 $_tile_overlayer_lowered  }
0x9b: {  	s22 =	simm.s32 $0x1BFF;
	s21 =	sshll.u32 s6, $0x1;
	s3 =	sadd.s32 s4, s19  }
0x9c: {  	s7 =	simm.s32 $0x0;
	s20 =	sshll.u32 s5, $0x1;
	s5 =	sadd.s32 s21, s3  }
0x9d: {  	[timem:s7], [sflag:s22] =	dma.local [hbm:s5], s20  }
0x9e: {  	_ =	swait.ge [sflag:s22], s20  }
0x9f: {  	s4 =	ssub.s32 $0x0, s20;
	[sflag:s22] =	ssyncset.done $0x0  }
0xa0: {  	[sflag:s22] =	ssyncadd.s32 s4;
	_ =	sdelay $0x1  }
0xa1: {  	s23 =	simm.s32 $0x1B8B  }
0xa2: {  	_ =	swait.ge [sflag:s23], $0x1  }
0xa3: {  	[sflag:s23] =	ssyncset.done $0x0  }
0xa4: {  	s25 =	simm.s32 $0x1B8E;
	s24 =	sld [smem:$0x3FFE];
	[sflag:s23] =	ssyncadd.s32 $0xFFFFFFFF  }
0xa5: {  	s26 =	simm.s32 $execute0_lowered;
	[smem:$0x3FD2] =	sst s25  }
0xa6: {  	s5 =	sshll.u32 s26, $0x1;
	_ =	strace $0x80000049;
	[dreg:$0x1] =	wrdreg $0xFFFFFFFF  }
0xa7: {  	s28 =	simm.s32 $_size_execute0_lowered;
	s3 =	sadd.s32 s3, s5;
	[dreg:$0x0] =	wrdreg $0x0  }
0xa8: {  	s5 =	sshll.u32 s28, $0x1;
	[dreg:$0x2] =	wrdreg s3  }
0xa9: {  	[dreg:$0x3] =	wrdreg s5  }
0xaa: {  	[dreg:$0x4] =	wrdreg $0xC0  }
0xab: {  	_ =	task [dreg:s7], $0x5FFFF  }
0xac: {  	[dreg:$0x1] =	wrdreg $0xFFFFFFFF  }
0xad: {  	[dreg:$0x0] =	wrdreg $0x60  }
0xae: {  	[dreg:$0x2] =	wrdreg s24  }
0xaf: {  	[dreg:$0x3] =	wrdreg s2  }
0xb0: {  	[dreg:$0x4] =	wrdreg $0xA9000  }
0xb1: {  	[dreg:$0x5] =	wrdreg $0x9  }
0xb2: {  	_ =	task.clear_ibuf [dreg:s7], $0x6FFFF;
	_ =	strace $0x90000049  }
0xb3: {  	s29 =	simm.s32 $0x9;
	_ =	strace $0x8000004B  }
0xb4: {  	_ =	swait.ge [sflag:s29], $0x1  }
0xb5: {  	[sflag:s29] =	ssyncadd.s32 $0xFFFFFFFF  }
0xb6: {  	_ =	strace $0x9000004B  }
0xb7: {  	_ =	sfence  }
0xb8: {  	s30 =	sld [smem:$0x0];
	_ =	sdelay $0x2  }
0xb9: {  	s31 =	sshll.u32 s1, $0xD;
	s1 =	sshrl.u32 s1, $0x2  }
0xba: {  	s3 =	sand.u32 $0x4000, s31;
	s1 =	sadd.s32 s1, s30  }
0xbb: {  	s0 =	sor.u32 s3, s0;
	s1 =	sshll.u32 s1, $0x11  }
0xbc: {  	s0 =	sor.u32 s1, s0  }
0xbd: {  	s0 =	sadd.s32 $0x8F2B, s0  }
0xbe: {  	[sflag:s0] =	ssyncadd.remote.s32 $0x1  }
0xbf: {  	_ =	sfence.sel $0xFFFF  }
0xc0: {  	[dreg:$0x0] =	wrdreg $0xFFFFFFFF;
	(pc) =	sbr.abs _section_cstart, $3  }
0xc1: {  	[dreg:$0x1] =	wrdreg $0xFFFFFFFF  }
0xc2: {  	_ =	task.clear_ibuf [dreg:s7], $0x2FFFF;
	_ =	strace $0x9FFFFFFF  }
0xc3: {  	(tm) =	ssettm $0x7FFFFFFF  }
tec
execute0_lowered:
.L_overlay_start_1:
0x0: {  	(tag) =	ssettag $0x1  }
0x1: {  	s7 =	rddreg [dreg:$0x0]  }
0x2: {  	s1 =	srdreg.scid;
	s2 =	rddreg [dreg:$0x1]  }
0x3: {  	s0 =	stileid.u32;
	s3 =	rddreg [dreg:$0x2]  }
0x4: {  	s5 =	simm.s32 $0x0;
	s17 =	simm.s32 $0x2900;
	s18 =	simm.s32 $0x5  }
0x5: {  	s19 =	simm.s32 $0x2800;
	s20 =	simm.s32 $0x80;
	s21 =	simm.s32 $0x2880  }
0x6: {  	s22 =	simm.s32 $0x6900;
	s23 =	simm.s32 $0x1;
	s24 =	simm.s32 $0x3  }
0x7: {  	s25 =	simm.s32 $0x2;
	s28 =	simm.s32 $0x0;
	s8 =	sand.u32 $0x1, s1  }
0x8: {  	s26 =	sshll.u32 s0, $0x1;
	[smem:$0x7FF] =	sst s5;
	s10 =	smul.u32 $0x14000, s0  }
0x9: {  	s11 =	smul.u32 $0x50000, s0;
	s6 =	sadd.s32 $0xBC00, s7;
	s1 =	sor.u32 s8, s26  }
0xa: {  	s9 =	smul.u32 $0x140000, s8;
	_ =	strace $0x8000004A;
	s8 =	ssub.s32 $0x2, s8  }
0xb: {  	s26 =	simm.s32 $0x4;
	s4 =	smul.u32 $0x2800, s1;
	s30 =	sshrl.u32 s8, $0x1  }
0xc: {  	s29 =	sshrl.u32 s11, $0x2;
	s9 =	sadd.s32 s10, s9;
	s16 =	ssub.s32 s8, s30  }
0xd: {  	s12 =	sshrl.u32 s4, $0x3;
	s9 =	sshrl.u32 s9, $0x3;
	s16 =	smax.u32 s16, $0x1  }
0xe: {  	s13 =	sadd.s32 s12, s7;
	s15 =	sadd.s32 s9, s7;
	s7 =	sadd.s32 s29, s3  }
0xf: {  	s12 =	sadd.s32 s6, s12;
	s31 =	sadd.s32 $0x4000, s7;
	s9 =	sadd.s32 $0x8000, s7  }
0x10: {  	s10 =	sadd.s32 $0xC000, s7;
	s11 =	sadd.s32 $0x10000, s7;
	s13 =	sadd.s32 $0x1C00, s13  }
0x11: {  	v0 =	vimm.f32 $0.0e+00;
	s14 =	sadd.s32 $0x10, s12;
	s15 =	sadd.s32 $0x65C00, s15;
	[dreg:$0x4] =	wrdreg s31  }
.LBB2_1:
0x12: {  	s29 =	simm.s32 $0x10;
	s30 =	sand.u32 $0x3FF0, s5  }
.LBB2_2:
0x13: {  	p0 =	sne.s32 s29, $0x3FF0;
	[tilespmem:s30+$0x2900] =	vst v0;
	s30 =	smov.u32 s29;
	s29 =	sadd.s32 $0x10, s29  }
.Ltmp0:
0x14: {  	(pc) =	sbr.rel @p0 .LBB2_2-.Ltmp0, $2  }
0x15: {  	_ =	sdelay $0x2  }
0x16: {  	s30 =	sand.u32 $0x3FF0, s30  }
0x17: {  	[tilespmem:s30+$0x2900] =	vst v0  }
0x18: {  	[spmem:s7] =	stream.linear.scatter [tilespmem:s17], [sflag:$0x5], $0x4000, $0x38;
	[tilespmem:$0x1E900] =	vst v63  }
0x19: {  	_ =	swait.ge [sflag:s18], $0x4000  }
0x1a: {  	[sflag:s18] =	ssyncset.done $0x0  }
0x1b: {  	s0 =	rddreg [dreg:$0x4];
	[sflag:s18] =	ssyncadd.s32 $0xFFFFC000  }
0x1c: {  	[spmem:s0] =	stream.linear.scatter [tilespmem:s17], [sflag:$0x5], $0x4000, $0x38;
	[tilespmem:$0x1E900] =	vst v63  }
0x1d: {  	_ =	swait.ge [sflag:s18], $0x4000  }
0x1e: {  	[sflag:s18] =	ssyncset.done $0x0  }
0x1f: {  	[sflag:s18] =	ssyncadd.s32 $0xFFFFC000  }
0x20: {  	[spmem:s9] =	stream.linear.scatter [tilespmem:s17], [sflag:$0x5], $0x4000, $0x38;
	[tilespmem:$0x1E900] =	vst v63  }
0x21: {  	_ =	swait.ge [sflag:s18], $0x4000  }
0x22: {  	[sflag:s18] =	ssyncset.done $0x0  }
0x23: {  	[sflag:s18] =	ssyncadd.s32 $0xFFFFC000  }
0x24: {  	[spmem:s10] =	stream.linear.scatter [tilespmem:s17], [sflag:$0x5], $0x4000, $0x38;
	[tilespmem:$0x1E900] =	vst v63  }
0x25: {  	_ =	swait.ge [sflag:s18], $0x4000  }
0x26: {  	[sflag:s18] =	ssyncset.done $0x0  }
0x27: {  	[sflag:s18] =	ssyncadd.s32 $0xFFFFC000  }
0x28: {  	[spmem:s11] =	stream.linear.scatter [tilespmem:s17], [sflag:$0x5], $0x4000, $0x38;
	[tilespmem:$0x1E900] =	vst v63  }
0x29: {  	_ =	swait.ge [sflag:s18], $0x4000  }
0x2a: {  	[sflag:s18] =	ssyncset.done $0x0  }
0x2b: {  	[sflag:s18] =	ssyncadd.s32 $0xFFFFC000  }
0x2c: {  	[tilespmem:s5], [sflag:$0x5] =	stream.linear.gather [hbm4b:s13+s5], $0x2800, $0x38;
	[tilespmem:$0x1E900] =	vst v63  }
0x2d: {  	_ =	swait.ge [sflag:s18], $0x2800  }
0x2e: {  	[sflag:s18] =	ssyncset.done $0x0  }
0x2f: {  	[sflag:s18] =	ssyncadd.s32 $0xFFFFD800  }
0x30: {  	[bflag:$0x0] =	sbarrier.arrive $0xFFFF  }
0x31: {  	[tilespmem:s19], [sflag:$0x3] =	stream.linear.gather [hbm4b:s12+s5], $0x80, $0x38;
	[tilespmem:$0x1E900] =	vst v63  }
0x32: {  	_ = 	snop  }
0x33: {  	[tilespmem:s17], [sflag:$0x1] =	stream.indirect.gather [hbm4b:s2+s20], $0x80, s5, s20, $0xb8;
	[tilespmem:$0x1E900] =	vst v63  }
0x34: {  	_ = 	snop  }
0x35: {  	[tilespmem:s21], [sflag:$0x4] =	stream.linear.gather [hbm4b:s14+s5], $0x80, $0x38;
	[tilespmem:$0x1E900] =	vst v63  }
0x36: {  	_ = 	snop  }
0x37: {  	[tilespmem:s22], [sflag:$0x2] =	stream.indirect.gather [hbm4b:s2+s20], $0x80, s20, s20, $0xb8;
	[tilespmem:$0x1E900] =	vst v63  }
0x38: {  	_ =	swait.ge [sflag:s23], $0x4000  }
0x39: {  	[sflag:s23] =	ssyncset.done $0x0  }
0x3a: {  	[sflag:s23] =	ssyncadd.s32 $0xFFFFC000  }
0x3b: {  	s29 =	simm.s32 $0x100;
	_ =	swait.ge [sflag:s24], $0x80  }
0x3c: {  	s30 =	sand.u32 $0x7C00, s29;
	[sflag:s24] =	ssyncset.done $0x0  }
0x3d: {  	s29 =	sand.u32 $0x300, s29;
	s30 =	sadd.s32 s4, s30;
	[sflag:s24] =	ssyncadd.s32 $0xFFFFFF80  }
0x3e: {  	[spmem:s3] =	stream.indirect.scatter.add.f32 [tilespmem:s17], [sflag:$0x5], $0x80, s19, s20, $0xb8;
	[tilespmem:$0x1E900] =	vst v63  }
0x3f: {  	s29 =	sor.u32 s29, s30;
	_ =	swait.ge [sflag:s18], $0x4000  }
0x40: {  	s29 =	sshrl.u32 s29, $0x3;
	[sflag:s18] =	ssyncset.done $0x0  }
0x41: {  	s29 =	sadd.s32 s6, s29;
	[sflag:s18] =	ssyncadd.s32 $0xFFFFC000  }
0x42: {  	[tilespmem:s19], [sflag:$0x3] =	stream.linear.gather [hbm4b:s29+s5], $0x80, $0x38;
	[tilespmem:$0x1E900] =	vst v63  }
0x43: {  	s29 =	simm.s32 $0x100  }
0x44: {  	[tilespmem:s17], [sflag:$0x1] =	stream.indirect.gather [hbm4b:s2+s20], $0x80, s29, s20, $0xb8;
	[tilespmem:$0x1E900] =	vst v63  }
0x45: {  	_ =	swait.ge [sflag:s25], $0x4000  }
0x46: {  	[sflag:s25] =	ssyncset.done $0x0  }
0x47: {  	[sflag:s25] =	ssyncadd.s32 $0xFFFFC000  }
0x48: {  	s29 =	simm.s32 $0x180;
	_ =	swait.ge [sflag:s26], $0x80  }
0x49: {  	s30 =	sand.u32 $0x7C00, s29;
	[sflag:s26] =	ssyncset.done $0x0  }
0x4a: {  	s29 =	sand.u32 $0x380, s29;
	s30 =	sadd.s32 s4, s30;
	[sflag:s26] =	ssyncadd.s32 $0xFFFFFF80  }
0x4b: {  	[spmem:s3] =	stream.indirect.scatter.add.f32 [tilespmem:s22], [sflag:$0x5], $0x80, s21, s20, $0xb8;
	[tilespmem:$0x1E900] =	vst v63  }
0x4c: {  	s29 =	sor.u32 s29, s30;
	_ =	swait.ge [sflag:s18], $0x4000  }
0x4d: {  	s29 =	sshrl.u32 s29, $0x3;
	[sflag:s18] =	ssyncset.done $0x0  }
0x4e: {  	s29 =	sadd.s32 s6, s29;
	[sflag:s18] =	ssyncadd.s32 $0xFFFFC000  }
0x4f: {  	[tilespmem:s21], [sflag:$0x4] =	stream.linear.gather [hbm4b:s29+s5], $0x80, $0x38;
	[tilespmem:$0x1E900] =	vst v63  }
0x50: {  	s31 =	simm.s32 $0x200;
	s30 =	simm.s32 $0x180;
	s29 =	simm.s32 $0x280  }
.LBB2_4:
0x51: {  	s1 =	sadd.s32 $0x80, s31  }
0x52: {  	p0 =	sne.s32 s29, $0x2780;
	s0 =	smov.u32 s29;
	s29 =	sadd.s32 $0x100, s29  }
0x53: {  	[tilespmem:s22], [sflag:$0x2] =	stream.indirect.gather [hbm4b:s2+s20], $0x80, s30, s20, $0xb8;
	[tilespmem:$0x1E900] =	vst v63  }
0x54: {  	s30 =	smov.u32 s1;
	_ =	swait.ge [sflag:s23], $0x4000  }
0x55: {  	[sflag:s23] =	ssyncset.done $0x0  }
0x56: {  	[sflag:s23] =	ssyncadd.s32 $0xFFFFC000  }
0x57: {  	_ =	swait.ge [sflag:s24], $0x80  }
0x58: {  	s1 =	sadd.s32 $0xFFFFFF80, s0;
	[sflag:s24] =	ssyncset.done $0x0  }
0x59: {  	s8 =	sand.u32 $0x7C00, s1;
	s1 =	sand.u32 $0x300, s1;
	[sflag:s24] =	ssyncadd.s32 $0xFFFFFF80  }
0x5a: {  	[spmem:s3] =	stream.indirect.scatter.add.f32 [tilespmem:s17], [sflag:$0x5], $0x80, s19, s20, $0xb8;
	[tilespmem:$0x1E900] =	vst v63  }
0x5b: {  	s8 =	sadd.s32 s4, s8;
	_ =	swait.ge [sflag:s18], $0x4000  }
0x5c: {  	s1 =	sor.u32 s1, s8;
	[sflag:s18] =	ssyncset.done $0x0  }
0x5d: {  	s1 =	sshrl.u32 s1, $0x3;
	[sflag:s18] =	ssyncadd.s32 $0xFFFFC000  }
0x5e: {  	s1 =	sadd.s32 s6, s1  }
0x5f: {  	[tilespmem:s19], [sflag:$0x3] =	stream.linear.gather [hbm4b:s1+s5], $0x80, $0x38;
	[tilespmem:$0x1E900] =	vst v63  }
0x60: {  	_ = 	snop  }
0x61: {  	[tilespmem:s17], [sflag:$0x1] =	stream.indirect.gather [hbm4b:s2+s20], $0x80, s31, s20, $0xb8;
	[tilespmem:$0x1E900] =	vst v63  }
0x62: {  	_ =	swait.ge [sflag:s25], $0x4000  }
0x63: {  	[sflag:s25] =	ssyncset.done $0x0  }
0x64: {  	[sflag:s25] =	ssyncadd.s32 $0xFFFFC000  }
0x65: {  	_ =	swait.ge [sflag:s26], $0x80  }
0x66: {  	s1 =	sand.u32 $0x7C00, s0;
	[sflag:s26] =	ssyncset.done $0x0  }
0x67: {  	s0 =	sand.u32 $0x380, s0;
	s1 =	sadd.s32 s4, s1;
	[sflag:s26] =	ssyncadd.s32 $0xFFFFFF80  }
0x68: {  	[spmem:s3] =	stream.indirect.scatter.add.f32 [tilespmem:s22], [sflag:$0x5], $0x80, s21, s20, $0xb8;
	[tilespmem:$0x1E900] =	vst v63  }
.Ltmp1:
0x69: {  	_ = 	snop;
	(pc) =	sbr.rel @p0 .LBB2_4-.Ltmp1, $4  }
0x6a: {  	s0 =	sor.u32 s0, s1;
	_ =	swait.ge [sflag:s18], $0x4000  }
0x6b: {  	s0 =	sshrl.u32 s0, $0x3;
	[sflag:s18] =	ssyncset.done $0x0  }
0x6c: {  	s31 =	sadd.s32 $0x100, s31;
	s0 =	sadd.s32 s6, s0;
	[sflag:s18] =	ssyncadd.s32 $0xFFFFC000  }
0x6d: {  	[tilespmem:s21], [sflag:$0x4] =	stream.linear.gather [hbm4b:s0+s5], $0x80, $0x38;
	[tilespmem:$0x1E900] =	vst v63  }
0x6e: {  	[tilespmem:s22], [sflag:$0x2] =	stream.indirect.gather [hbm4b:s2+s20], $0x80, s30, s20, $0xb8;
	[tilespmem:$0x1E900] =	vst v63  }
0x6f: {  	_ =	swait.ge [sflag:s23], $0x4000  }
0x70: {  	[sflag:s23] =	ssyncset.done $0x0  }
0x71: {  	[sflag:s23] =	ssyncadd.s32 $0xFFFFC000  }
0x72: {  	_ =	swait.ge [sflag:s24], $0x80  }
0x73: {  	[sflag:s24] =	ssyncset.done $0x0  }
0x74: {  	[sflag:s24] =	ssyncadd.s32 $0xFFFFFF80  }
0x75: {  	[spmem:s3] =	stream.indirect.scatter.add.f32 [tilespmem:s17], [sflag:$0x5], $0x80, s19, s20, $0xb8;
	[tilespmem:$0x1E900] =	vst v63  }
0x76: {  	_ =	swait.ge [sflag:s18], $0x4000  }
0x77: {  	[sflag:s18] =	ssyncset.done $0x0  }
0x78: {  	[sflag:s18] =	ssyncadd.s32 $0xFFFFC000  }
0x79: {  	_ =	swait.ge [sflag:s25], $0x4000  }
0x7a: {  	[sflag:s25] =	ssyncset.done $0x0  }
0x7b: {  	[sflag:s25] =	ssyncadd.s32 $0xFFFFC000  }
0x7c: {  	_ =	swait.ge [sflag:s26], $0x80  }
0x7d: {  	[sflag:s26] =	ssyncset.done $0x0  }
0x7e: {  	[sflag:s26] =	ssyncadd.s32 $0xFFFFFF80  }
0x7f: {  	[spmem:s3] =	stream.indirect.scatter.add.f32 [tilespmem:s22], [sflag:$0x5], $0x80, s21, s20, $0xb8;
	[tilespmem:$0x1E900] =	vst v63  }
0x80: {  	s0 =	stileid.u32;
	_ =	swait.ge [sflag:s18], $0x4000  }
0x81: {  	s1 =	sshrl.u32 s7, $0x3;
	s28 =	sadd.s32 $0x1, s28;
	[sflag:s18] =	ssyncset.done $0x0  }
0x82: {  	s0 =	sshll.u32 s0, $0x6;
	p0 =	sne.s32 s28, s16;
	[sflag:s18] =	ssyncadd.s32 $0xFFFFC000  }
.Ltmp2:
0x83: {  	s0 =	sor.u32 $0x1C05, s0;
	[bflag:$0x0] =	sbarrier.arrive $0xFFFF;
	(pc) =	sbr.rel @p0 .LBB2_1-.Ltmp2, $4  }
0x84: {  	[hbm:s15], [sflag:s0] =	dma.local [spmem:s1], $0x2800  }
0x85: {  	_ =	swait.ge [sflag:s18], $0x2800  }
0x86: {  	[sflag:s18] =	ssyncset.done $0x0  }
0x87: {  	[sflag:s18] =	ssyncadd.s32 $0xFFFFD800  }
0x88: {  	_ =	sfence.sel $0x180000  }
0x89: {  	[bflag:$0x0] =	sbarrier.arrive $0xFFFF  }
0x8a: {  	_ =	strace $0x9000004A  }
0x8b: {  	s0 =	stileid.u32;
	[bflag:$0x2] =	sbarrier.arrive $0xFFFF  }
0x8c: {  	p0 =	sne.s32 s0, $0x0;
	s0 =	rddreg [dreg:$0x3]  }
0x8d: {  	s0 =	sadd.s32 @!p0 $0x100000, s0  }
0x8e: {  	[sflag:s0] =	ssyncadd.tile.s32 @!p0 $0x1;
	_ =	shalt  }
.Lfunc_end2:
_tile_overlayer_lowered:
.L_overlay_start_2:
0x8f: {  	(tag) =	ssettag $0x2  }
0x90: {  	s0 =	rddreg [dreg:$0x0];
	s2 =	stileid.u32  }
0x91: {  	s1 =	rddreg [dreg:$0x1];
	p0 =	sne.s32 s2, $0x0  }
0x92: {  	s3 =	rddreg [dreg:$0x2];
	[bflag:$0x3] =	sbarrier.arrive $0xFFFF;
	s2 =	simm.s32 @!p0 $0x1C05  }
0x93: {  	[timem:s3], [sflag:s2] =	dma.local @!p0 [hbm:s0], s1  }
0x94: {  	s0 =	simm.s32 @!p0 $0x5  }
0x95: {  	_ =	swait.ge @!p0 [sflag:s0], s1  }
0x96: {  	s1 =	ssub.s32 @!p0 $0x0, s1;
	[sflag:s0] =	ssyncset.done @!p0 $0x0  }
0x97: {  	[sflag:s0] =	ssyncadd.s32 @!p0 s1  }
0x98: {  	[bflag:$0x3] =	sbarrier.arrive $0xFFFF  }
0x99: {  	_ =	shalt  }

</sc_bundles>
